<compile_context>
chip_gen: v7x
topology: tpu7x:2x2x1
jax: 0.10.2.dev20260603
libtpu: 0.0.44.dev20260713+nightly
codegen_flags: <defaults>
</compile_context>

<pallas_src>
import functools
import math

import jax
import jax.numpy as jnp
from jax import lax
from jax.experimental import pallas as pl
from jax.experimental.pallas import tpu as pltpu
from jax.experimental.pallas import tpu_sc as plsc

CSIZE = 1024
CDIM = 64
HIDDEN = 768
THETA = 10000.0

TOKENS = 4096
DIST_ROWS = 2 * CSIZE + 1
Y_OFF = 5128
TABLE_ROWS = 10256
CHUNK = 128
HALF_TOK = TOKENS // 2
NCHUNK = HALF_TOK // CHUNK
NBUF = 6


def _sc_gather(idx_hbm, table_hbm):
    mesh = plsc.VectorSubcoreMesh(core_axis_name="c", subcore_axis_name="s")

    @functools.partial(
        pl.kernel,
        out_type=jax.ShapeDtypeStruct((TOKENS, 32 * CDIM), jnp.float32),
        mesh=mesh,
        scratch_types=[
            pltpu.VMEM((NCHUNK, CHUNK), jnp.int32),
            pltpu.VMEM((NBUF, CHUNK, 2 * CDIM), jnp.float32),
            pltpu.SemaphoreType.DMA((NBUF,)),
        ],
    )
    def k(idx_ref, table_ref, out_ref, idx_v, buf, gsem):
        h = lax.axis_index("c")
        j = lax.axis_index("s")

        xy = j >= 8
        jj = j - jnp.where(xy, 8, 0)
        is_dist = jj >= 3
        off = (jnp.where(xy, Y_OFF, 0)
               + jnp.where(is_dist, 3 * CSIZE + CSIZE, jj * CSIZE))

        pltpu.sync_copy(idx_ref.at[j, h], idx_v)

        def fix_chunk(r):
            for u in range(CHUNK // 16):
                v = idx_v[r, pl.ds(u * 16, 16)]
                cv = jnp.minimum(jnp.maximum(v, -CSIZE), CSIZE)
                idx_v[r, pl.ds(u * 16, 16)] = jnp.where(is_dist, cv, v) + off

        def fire(c):
            pltpu.async_copy(
                table_ref.at[idx_v.at[c]], buf.at[c % NBUF],
                gsem.at[c % NBUF])

        for c in range(NBUF):
            fix_chunk(c)
            fire(c)

        tok0 = h * HALF_TOK

        def do_chunk(c, _):
            b = c % NBUF
            pltpu.make_async_copy(
                table_ref.at[idx_v.at[c]], buf.at[b], gsem.at[b]).wait()
            pltpu.sync_copy(
                buf.at[b],
                out_ref.at[pl.ds(tok0 + c * CHUNK, CHUNK),
                           pl.ds(j * 2 * CDIM, 2 * CDIM)],
            )

            @pl.when(c < NCHUNK - NBUF)
            def _():
                fix_chunk(c + NBUF)
                fire(c + NBUF)

            return 0

        lax.fori_loop(0, NCHUNK, do_chunk, 0)

    return k(idx_hbm, table_hbm)


def _finish_body(vt_ref, v_ref, t_ref):
    for j in range(16):
        v_ref[0, :, pl.ds(j * CDIM, CDIM)] = vt_ref[:, pl.ds(j * 2 * CDIM, CDIM)]
        t_ref[0, :, pl.ds(j * CDIM, CDIM)] = vt_ref[:, pl.ds(j * 2 * CDIM + CDIM, CDIM)]


def _finish(vt, batch, seq):
    blk = 256
    nblk = seq // blk
    emb_spec = pl.BlockSpec((1, blk, 16 * CDIM),
                            lambda i: (i // nblk, i % nblk, 0))
    emb_shape = jax.ShapeDtypeStruct((batch, seq, 16 * CDIM), jnp.float32)
    return pl.pallas_call(
        _finish_body,
        grid=(batch * nblk,),
        in_specs=[pl.BlockSpec((blk, 32 * CDIM), lambda i: (i, 0))],
        out_specs=[emb_spec, emb_spec],
        out_shape=[emb_shape, emb_shape],
    )(vt)


def _rope_body(cos_ref, sin_ref):
    i = pl.program_id(0)
    blk = cos_ref.shape[1]
    pos = (lax.broadcasted_iota(jnp.int32, (blk, HIDDEN // 2), 0)
           + i * blk).astype(jnp.float32)
    half = lax.broadcasted_iota(
        jnp.int32, (blk, HIDDEN // 2), 1).astype(jnp.float32)
    inv_freq = jnp.exp(half * (-2.0 * math.log(THETA) / HIDDEN))
    freqs = pos * inv_freq
    emb = jnp.concatenate([freqs, freqs], axis=-1)
    cos_ref[...] = jnp.broadcast_to(jnp.cos(emb)[None], cos_ref.shape)
    sin_ref[...] = jnp.broadcast_to(jnp.sin(emb)[None], sin_ref.shape)


def _rope(batch, seq):
    blk = 256
    spec = pl.BlockSpec((batch, blk, HIDDEN), lambda i: (0, i, 0))
    shape = jax.ShapeDtypeStruct((batch, seq, HIDDEN), jnp.float32)
    return pl.pallas_call(
        _rope_body,
        grid=(seq // blk,),
        out_specs=[spec, spec],
        out_shape=[shape, shape],
    )()


_TAB_OFFS = (0, CSIZE, 2 * CSIZE, 3 * CSIZE,
             Y_OFF, Y_OFF + CSIZE, Y_OFF + 2 * CSIZE, Y_OFF + 3 * CSIZE)


def _prep_body(*refs):
    out_ref = refs[16]
    for k in range(8):
        n = refs[k].shape[0]
        out_ref[pl.ds(_TAB_OFFS[k], n), pl.ds(0, CDIM)] = refs[k][...]
        out_ref[pl.ds(_TAB_OFFS[k], n), pl.ds(CDIM, CDIM)] = refs[k + 8][...]


def _prep_table(*tabs):
    return pl.pallas_call(
        _prep_body,
        out_shape=jax.ShapeDtypeStruct((TABLE_ROWS, 2 * CDIM), jnp.float32),
    )(*tabs)


def kernel(x_features, y_features, x_tl_pos_v, x_br_pos_v, w_pos_v, x_tl_dist_v, y_tl_pos_v, y_br_pos_v, h_pos_v, y_tl_dist_v, x_tl_pos_t, x_br_pos_t, w_pos_t, x_tl_dist_t, y_tl_pos_t, y_br_pos_t, h_pos_t, y_tl_dist_t):
    batch, seq, _ = x_features.shape

    table = _prep_table(
        x_tl_pos_v, x_br_pos_v, w_pos_v, x_tl_dist_v,
        y_tl_pos_v, y_br_pos_v, h_pos_v, y_tl_dist_v,
        x_tl_pos_t, x_br_pos_t, w_pos_t, x_tl_dist_t,
        y_tl_pos_t, y_br_pos_t, h_pos_t, y_tl_dist_t,
    )

    idx = jnp.concatenate([
        x_features.reshape(TOKENS, 8).T,
        y_features.reshape(TOKENS, 8).T,
    ], axis=0).reshape(16, 2, NCHUNK, CHUNK)

    out = _sc_gather(idx, table)
    cos, sin = _rope(batch, seq)
    v_emb, t_emb = _finish(out, batch, seq)
    return v_emb, t_emb, cos, sin

# --- scband reference (transcript-rebuilt; emitter-appended) ---
"""Pipeline reference for scband-spatial-feature-extractor-79645873537326 (READ-ONLY COPY).

The authoritative reference and input builder live on the scoring server;
editing this copy changes nothing except your own understanding.
"""

import jax, jax.numpy as jnp
import numpy as np

CSIZE = 1024
CDIM = 64
HIDDEN = 768
THETA = 10000.0
TABLE_NAMES = ['x_tl_pos_v','x_br_pos_v','w_pos_v','x_tl_dist_v','y_tl_pos_v','y_br_pos_v','h_pos_v','y_tl_dist_v','x_tl_pos_t','x_br_pos_t','w_pos_t','x_tl_dist_t','y_tl_pos_t','y_br_pos_t','h_pos_t','y_tl_dist_t']


def setup_inputs(seed: int = 0):
    key = jax.random.key(seed)
    ks = jax.random.split(key, 2 + len(TABLE_NAMES))
    inp = {}
    inp['x_features'] = jax.random.randint(ks[0], (2, 2048, 8), 0, 1024, dtype=jnp.int32)
    inp['y_features'] = jax.random.randint(ks[1], (2, 2048, 8), 0, 1024, dtype=jnp.int32)
    for i, name in enumerate(TABLE_NAMES):
        n = 2 * CSIZE + 1 if 'dist' in name else CSIZE
        inp[name] = jax.random.normal(ks[2 + i], (n, CDIM), dtype=jnp.float32) * 0.02
    return inp


def _rope(batch, seq):
    inv_freq = 1.0 / (THETA ** (jnp.arange(0, HIDDEN, 2, dtype=jnp.float32) / HIDDEN))
    pos = jnp.arange(seq, dtype=jnp.float32)
    freqs = pos[:, None] * inv_freq[None, :]
    emb = jnp.concatenate([freqs, freqs], axis=-1)
    cos = jnp.broadcast_to(jnp.cos(emb)[None, :, :], (batch, seq, HIDDEN))
    sin = jnp.broadcast_to(jnp.sin(emb)[None, :, :], (batch, seq, HIDDEN))
    return cos, sin


def _lookup(xf, yf, pos_a, pos_b, pos_c, dist_x, pos_d, pos_e, pos_f, dist_y):
    # NOTE: faithful to the original torch code, which (apparently by copy-paste)
    # uses x_tl_distance_to_prev_emb for ALL five x-distance features (cols 3..7),
    # and analogously a single y distance table for all five y-distance features.
    parts = [jnp.take(pos_a, xf[:, :, 0], axis=0), jnp.take(pos_b, xf[:, :, 1], axis=0), jnp.take(pos_c, xf[:, :, 2], axis=0)]
    parts += [jnp.take(dist_x, xf[:, :, 3 + i], axis=0) for i in range(5)]
    parts += [jnp.take(pos_d, yf[:, :, 0], axis=0), jnp.take(pos_e, yf[:, :, 1], axis=0), jnp.take(pos_f, yf[:, :, 2], axis=0)]
    parts += [jnp.take(dist_y, yf[:, :, 3 + i], axis=0) for i in range(5)]
    return jnp.concatenate(parts, axis=-1)


def reference(x_features, y_features, x_tl_pos_v, x_br_pos_v, w_pos_v, x_tl_dist_v, y_tl_pos_v, y_br_pos_v, h_pos_v, y_tl_dist_v, x_tl_pos_t, x_br_pos_t, w_pos_t, x_tl_dist_t, y_tl_pos_t, y_br_pos_t, h_pos_t, y_tl_dist_t):
    batch, seq, _ = x_features.shape
    cos, sin = _rope(batch, seq)
    xd = jnp.clip(x_features[:, :, 3:], -CSIZE, CSIZE) + CSIZE
    xf = jnp.concatenate([x_features[:, :, :3], xd], axis=-1)
    yd = jnp.clip(y_features[:, :, 3:], -CSIZE, CSIZE) + CSIZE
    yf = jnp.concatenate([y_features[:, :, :3], yd], axis=-1)
    v_emb = _lookup(xf, yf, x_tl_pos_v, x_br_pos_v, w_pos_v, x_tl_dist_v, y_tl_pos_v, y_br_pos_v, h_pos_v, y_tl_dist_v)
    t_emb = _lookup(xf, yf, x_tl_pos_t, x_br_pos_t, w_pos_t, x_tl_dist_t, y_tl_pos_t, y_br_pos_t, h_pos_t, y_tl_dist_t)
    return v_emb, t_emb, cos, sin

if __name__ == "__main__":
    import jax
    _d = setup_inputs()
    print(jax.jit(kernel)(*tuple(_d.values())))

</pallas_src>

<mosaic_0001>
#map = affine_map<(d0, d1) -> (0, 0, 0, 0)>
#map1 = affine_map<(d0, d1) -> (0, 0)>
module attributes {stable_mosaic.version = 14 : i64} {
  func.func @k(%arg0: i32, %arg1: i32, %arg2: memref<16x2x16x128xi32, #tpu.memory_space<hbm>>, %arg3: memref<10256x128xf32, #tpu.memory_space<hbm>>, %arg4: memref<4096x2048xf32, #tpu.memory_space<hbm>>, %arg5: memref<16x128xi32, #tpu.memory_space<vmem>>, %arg6: memref<6x128x128xf32, #tpu.memory_space<vmem>>, %arg7: memref<6x!tpu.dma_semaphore, #tpu.memory_space<semaphore_mem>>) attributes {dimension_semantics = [#tpu.dimension_semantics<core_parallel>, #tpu.dimension_semantics<subcore_parallel>], iteration_bounds = array<i64: 2, 16>, scalar_prefetch = 0 : i64, scratch_operands = 3 : i64, tpu.core_type = #tpu.core_type<sc_vector_subcore>, window_params = [{transform_indices = #map}, {transform_indices = #map1}, {transform_indices = #map1}]} {
    %ge3A = arith.constant 8 : i32
    %ge3A_0 = arith.cmpi sge, %arg1, %ge3A : i32
    %jit3A = arith.constant 8 : i32
    %jit3A_1 = arith.constant 0 : i32
    %select_n3A = arith.select %ge3A_0, %jit3A, %jit3A_1 : i32
    %sub3A = arith.subi %arg1, %select_n3A : i32
    %ge3A_2 = arith.constant 3 : i32
    %ge3A_3 = arith.cmpi sge, %sub3A, %ge3A_2 : i32
    %jit3A_4 = arith.constant 5128 : i32
    %jit3A_5 = arith.constant 0 : i32
    %select_n3A_6 = arith.select %ge3A_0, %jit3A_4, %jit3A_5 : i32
    %mul3A = arith.constant 1024 : i32
    %mul3A_7 = arith.muli %sub3A, %mul3A : i32
    %jit3A_8 = arith.constant 4096 : i32
    %select_n3A_9 = arith.select %ge3A_3, %jit3A_8, %mul3A_7 : i32
    %add3A = arith.addi %select_n3A_6, %select_n3A_9 : i32
    "tpu.region"() ({
      %run_scoped3A = tpu.sem_alloc : memref<!tpu.dma_semaphore, #tpu.memory_space<semaphore_mem>>
      %dma_start3A_1063 = arith.constant 0 : i32
      %dma_start3A_1064 = arith.constant 0 : i32
      %dma_start3A_1065 = tpu.memref_slice %arg2[%arg1, %arg0, %dma_start3A_1063, %dma_start3A_1064] : memref<16x2x16x128xi32, #tpu.memory_space<hbm>> -> memref<1x1x16x128xi32, #tpu.memory_space<hbm>>
      %dma_start3A_1066 = tpu.memref_squeeze %dma_start3A_1065 : memref<1x1x16x128xi32, #tpu.memory_space<hbm>> -> memref<16x128xi32, #tpu.memory_space<hbm>>
      %dma_start3A_1067 = arith.constant 0 : i32
      %dma_start3A_1068 = arith.constant 0 : i32
      %dma_start3A_1069 = tpu.memref_slice %arg2[%arg1, %arg0, %dma_start3A_1067, %dma_start3A_1068] : memref<16x2x16x128xi32, #tpu.memory_space<hbm>> -> memref<1x1x16x128xi32, #tpu.memory_space<hbm>>
      %dma_start3A_1070 = tpu.memref_squeeze %dma_start3A_1069 : memref<1x1x16x128xi32, #tpu.memory_space<hbm>> -> memref<16x128xi32, #tpu.memory_space<hbm>>
      tpu.enqueue_dma source(%dma_start3A_1070 : memref<16x128xi32, #tpu.memory_space<hbm>>) target(%arg5 : memref<16x128xi32, #tpu.memory_space<vmem>>) target_semaphore(%run_scoped3A : memref<!tpu.dma_semaphore, #tpu.memory_space<semaphore_mem>>)
      %dma_wait3A = arith.constant 0 : i32
      %dma_wait3A_1071 = arith.constant 0 : i32
      %dma_wait3A_1072 = tpu.memref_slice %arg2[%arg1, %arg0, %dma_wait3A, %dma_wait3A_1071] : memref<16x2x16x128xi32, #tpu.memory_space<hbm>> -> memref<1x1x16x128xi32, #tpu.memory_space<hbm>>
      %dma_wait3A_1073 = tpu.memref_squeeze %dma_wait3A_1072 : memref<1x1x16x128xi32, #tpu.memory_space<hbm>> -> memref<16x128xi32, #tpu.memory_space<hbm>>
      %dma_wait3A_1074 = arith.constant 0 : i32
      %dma_wait3A_1075 = arith.constant 0 : i32
      %dma_wait3A_1076 = tpu.memref_slice %arg2[%arg1, %arg0, %dma_wait3A_1074, %dma_wait3A_1075] : memref<16x2x16x128xi32, #tpu.memory_space<hbm>> -> memref<1x1x16x128xi32, #tpu.memory_space<hbm>>
      %dma_wait3A_1077 = tpu.memref_squeeze %dma_wait3A_1076 : memref<1x1x16x128xi32, #tpu.memory_space<hbm>> -> memref<16x128xi32, #tpu.memory_space<hbm>>
      tpu.wait_dma2 semaphore(%run_scoped3A : memref<!tpu.dma_semaphore, #tpu.memory_space<semaphore_mem>>) src(%dma_wait3A_1077 : memref<16x128xi32, #tpu.memory_space<hbm>>) dst(%arg5 : memref<16x128xi32, #tpu.memory_space<vmem>>)
      tpu.yield
    }) : () -> ()
    %get3A = arith.constant 0 : i32
    %get3A_10 = arith.index_cast %get3A : i32 to index
    %get3A_11 = arith.constant 0 : index
    %get3A_12 = tpu.vector_load %arg5[%get3A_10, %get3A_11] {strides = array<i32>} : memref<16x128xi32, #tpu.memory_space<vmem>>, vector<1x16xi32>,
    %get3A_13 = vector.shape_cast %get3A_12 : vector<1x16xi32> to vector<16xi32>
    %max3A = arith.constant -1024 : i32
    %max3A_14 = vector.broadcast %max3A : i32 to vector<16xi32>
    %max3A_15 = arith.maxsi %get3A_13, %max3A_14 : vector<16xi32>
    %min3A = arith.constant 1024 : i32
    %min3A_16 = vector.broadcast %min3A : i32 to vector<16xi32>
    %min3A_17 = arith.minsi %max3A_15, %min3A_16 : vector<16xi32>
    %select_n3A_18 = arith.select %ge3A_3, %min3A_17, %get3A_13 : vector<16xi32>
    %add3A_19 = vector.broadcast %add3A : i32 to vector<16xi32>
    %add3A_20 = arith.addi %select_n3A_18, %add3A_19 : vector<16xi32>
    %swap3A = arith.constant 0 : i32
    %swap3A_21 = arith.index_cast %swap3A : i32 to index
    %swap3A_22 = arith.constant 0 : index
    %swap3A_23 = tpu.vector_load %arg5[%swap3A_21, %swap3A_22] {strides = array<i32>} : memref<16x128xi32, #tpu.memory_space<vmem>>, vector<1x16xi32>,
    %swap3A_24 = vector.shape_cast %swap3A_23 : vector<1x16xi32> to vector<16xi32>
    %swap3A_25 = vector.shape_cast %add3A_20 : vector<16xi32> to vector<1x16xi32>
    tpu.vector_store %arg5[%swap3A_21, %swap3A_22], %swap3A_25 {strides = array<i32>} : memref<16x128xi32, #tpu.memory_space<vmem>>, vector<1x16xi32>,
    %get3A_26 = arith.constant 0 : i32
    %get3A_27 = arith.index_cast %get3A_26 : i32 to index
    %get3A_28 = arith.constant 16 : index
    %get3A_29 = tpu.vector_load %arg5[%get3A_27, %get3A_28] {strides = array<i32>} : memref<16x128xi32, #tpu.memory_space<vmem>>, vector<1x16xi32>,
    %get3A_30 = vector.shape_cast %get3A_29 : vector<1x16xi32> to vector<16xi32>
    %max3A_31 = arith.constant -1024 : i32
    %max3A_32 = vector.broadcast %max3A_31 : i32 to vector<16xi32>
    %max3A_33 = arith.maxsi %get3A_30, %max3A_32 : vector<16xi32>
    %min3A_34 = arith.constant 1024 : i32
    %min3A_35 = vector.broadcast %min3A_34 : i32 to vector<16xi32>
    %min3A_36 = arith.minsi %max3A_33, %min3A_35 : vector<16xi32>
    %select_n3A_37 = arith.select %ge3A_3, %min3A_36, %get3A_30 : vector<16xi32>
    %add3A_38 = vector.broadcast %add3A : i32 to vector<16xi32>
    %add3A_39 = arith.addi %select_n3A_37, %add3A_38 : vector<16xi32>
    %swap3A_40 = arith.constant 0 : i32
    %swap3A_41 = arith.index_cast %swap3A_40 : i32 to index
    %swap3A_42 = arith.constant 16 : index
    %swap3A_43 = tpu.vector_load %arg5[%swap3A_41, %swap3A_42] {strides = array<i32>} : memref<16x128xi32, #tpu.memory_space<vmem>>, vector<1x16xi32>,
    %swap3A_44 = vector.shape_cast %swap3A_43 : vector<1x16xi32> to vector<16xi32>
    %swap3A_45 = vector.shape_cast %add3A_39 : vector<16xi32> to vector<1x16xi32>
    tpu.vector_store %arg5[%swap3A_41, %swap3A_42], %swap3A_45 {strides = array<i32>} : memref<16x128xi32, #tpu.memory_space<vmem>>, vector<1x16xi32>,
    %get3A_46 = arith.constant 0 : i32
    %get3A_47 = arith.index_cast %get3A_46 : i32 to index
    %get3A_48 = arith.constant 32 : index
    %get3A_49 = tpu.vector_load %arg5[%get3A_47, %get3A_48] {strides = array<i32>} : memref<16x128xi32, #tpu.memory_space<vmem>>, vector<1x16xi32>,
    %get3A_50 = vector.shape_cast %get3A_49 : vector<1x16xi32> to vector<16xi32>
    %max3A_51 = arith.constant -1024 : i32
    %max3A_52 = vector.broadcast %max3A_51 : i32 to vector<16xi32>
    %max3A_53 = arith.maxsi %get3A_50, %max3A_52 : vector<16xi32>
    %min3A_54 = arith.constant 1024 : i32
    %min3A_55 = vector.broadcast %min3A_54 : i32 to vector<16xi32>
    %min3A_56 = arith.minsi %max3A_53, %min3A_55 : vector<16xi32>
    %select_n3A_57 = arith.select %ge3A_3, %min3A_56, %get3A_50 : vector<16xi32>
    %add3A_58 = vector.broadcast %add3A : i32 to vector<16xi32>
    %add3A_59 = arith.addi %select_n3A_57, %add3A_58 : vector<16xi32>
    %swap3A_60 = arith.constant 0 : i32
    %swap3A_61 = arith.index_cast %swap3A_60 : i32 to index
    %swap3A_62 = arith.constant 32 : index
    %swap3A_63 = tpu.vector_load %arg5[%swap3A_61, %swap3A_62] {strides = array<i32>} : memref<16x128xi32, #tpu.memory_space<vmem>>, vector<1x16xi32>,
    %swap3A_64 = vector.shape_cast %swap3A_63 : vector<1x16xi32> to vector<16xi32>
    %swap3A_65 = vector.shape_cast %add3A_59 : vector<16xi32> to vector<1x16xi32>
    tpu.vector_store %arg5[%swap3A_61, %swap3A_62], %swap3A_65 {strides = array<i32>} : memref<16x128xi32, #tpu.memory_space<vmem>>, vector<1x16xi32>,
    %get3A_66 = arith.constant 0 : i32
    %get3A_67 = arith.index_cast %get3A_66 : i32 to index
    %get3A_68 = arith.constant 48 : index
    %get3A_69 = tpu.vector_load %arg5[%get3A_67, %get3A_68] {strides = array<i32>} : memref<16x128xi32, #tpu.memory_space<vmem>>, vector<1x16xi32>,
    %get3A_70 = vector.shape_cast %get3A_69 : vector<1x16xi32> to vector<16xi32>
    %max3A_71 = arith.constant -1024 : i32
    %max3A_72 = vector.broadcast %max3A_71 : i32 to vector<16xi32>
    %max3A_73 = arith.maxsi %get3A_70, %max3A_72 : vector<16xi32>
    %min3A_74 = arith.constant 1024 : i32
    %min3A_75 = vector.broadcast %min3A_74 : i32 to vector<16xi32>
    %min3A_76 = arith.minsi %max3A_73, %min3A_75 : vector<16xi32>
    %select_n3A_77 = arith.select %ge3A_3, %min3A_76, %get3A_70 : vector<16xi32>
    %add3A_78 = vector.broadcast %add3A : i32 to vector<16xi32>
    %add3A_79 = arith.addi %select_n3A_77, %add3A_78 : vector<16xi32>
    %swap3A_80 = arith.constant 0 : i32
    %swap3A_81 = arith.index_cast %swap3A_80 : i32 to index
    %swap3A_82 = arith.constant 48 : index
    %swap3A_83 = tpu.vector_load %arg5[%swap3A_81, %swap3A_82] {strides = array<i32>} : memref<16x128xi32, #tpu.memory_space<vmem>>, vector<1x16xi32>,
    %swap3A_84 = vector.shape_cast %swap3A_83 : vector<1x16xi32> to vector<16xi32>
    %swap3A_85 = vector.shape_cast %add3A_79 : vector<16xi32> to vector<1x16xi32>
    tpu.vector_store %arg5[%swap3A_81, %swap3A_82], %swap3A_85 {strides = array<i32>} : memref<16x128xi32, #tpu.memory_space<vmem>>, vector<1x16xi32>,
    %get3A_86 = arith.constant 0 : i32
    %get3A_87 = arith.index_cast %get3A_86 : i32 to index
    %get3A_88 = arith.constant 64 : index
    %get3A_89 = tpu.vector_load %arg5[%get3A_87, %get3A_88] {strides = array<i32>} : memref<16x128xi32, #tpu.memory_space<vmem>>, vector<1x16xi32>,
    %get3A_90 = vector.shape_cast %get3A_89 : vector<1x16xi32> to vector<16xi32>
    %max3A_91 = arith.constant -1024 : i32
    %max3A_92 = vector.broadcast %max3A_91 : i32 to vector<16xi32>
    %max3A_93 = arith.maxsi %get3A_90, %max3A_92 : vector<16xi32>
    %min3A_94 = arith.constant 1024 : i32
    %min3A_95 = vector.broadcast %min3A_94 : i32 to vector<16xi32>
    %min3A_96 = arith.minsi %max3A_93, %min3A_95 : vector<16xi32>
    %select_n3A_97 = arith.select %ge3A_3, %min3A_96, %get3A_90 : vector<16xi32>
    %add3A_98 = vector.broadcast %add3A : i32 to vector<16xi32>
    %add3A_99 = arith.addi %select_n3A_97, %add3A_98 : vector<16xi32>
    %swap3A_100 = arith.constant 0 : i32
    %swap3A_101 = arith.index_cast %swap3A_100 : i32 to index
    %swap3A_102 = arith.constant 64 : index
    %swap3A_103 = tpu.vector_load %arg5[%swap3A_101, %swap3A_102] {strides = array<i32>} : memref<16x128xi32, #tpu.memory_space<vmem>>, vector<1x16xi32>,
    %swap3A_104 = vector.shape_cast %swap3A_103 : vector<1x16xi32> to vector<16xi32>
    %swap3A_105 = vector.shape_cast %add3A_99 : vector<16xi32> to vector<1x16xi32>
    tpu.vector_store %arg5[%swap3A_101, %swap3A_102], %swap3A_105 {strides = array<i32>} : memref<16x128xi32, #tpu.memory_space<vmem>>, vector<1x16xi32>,
    %get3A_106 = arith.constant 0 : i32
    %get3A_107 = arith.index_cast %get3A_106 : i32 to index
    %get3A_108 = arith.constant 80 : index
    %get3A_109 = tpu.vector_load %arg5[%get3A_107, %get3A_108] {strides = array<i32>} : memref<16x128xi32, #tpu.memory_space<vmem>>, vector<1x16xi32>,
    %get3A_110 = vector.shape_cast %get3A_109 : vector<1x16xi32> to vector<16xi32>
    %max3A_111 = arith.constant -1024 : i32
    %max3A_112 = vector.broadcast %max3A_111 : i32 to vector<16xi32>
    %max3A_113 = arith.maxsi %get3A_110, %max3A_112 : vector<16xi32>
    %min3A_114 = arith.constant 1024 : i32
    %min3A_115 = vector.broadcast %min3A_114 : i32 to vector<16xi32>
    %min3A_116 = arith.minsi %max3A_113, %min3A_115 : vector<16xi32>
    %select_n3A_117 = arith.select %ge3A_3, %min3A_116, %get3A_110 : vector<16xi32>
    %add3A_118 = vector.broadcast %add3A : i32 to vector<16xi32>
    %add3A_119 = arith.addi %select_n3A_117, %add3A_118 : vector<16xi32>
    %swap3A_120 = arith.constant 0 : i32
    %swap3A_121 = arith.index_cast %swap3A_120 : i32 to index
    %swap3A_122 = arith.constant 80 : index
    %swap3A_123 = tpu.vector_load %arg5[%swap3A_121, %swap3A_122] {strides = array<i32>} : memref<16x128xi32, #tpu.memory_space<vmem>>, vector<1x16xi32>,
    %swap3A_124 = vector.shape_cast %swap3A_123 : vector<1x16xi32> to vector<16xi32>
    %swap3A_125 = vector.shape_cast %add3A_119 : vector<16xi32> to vector<1x16xi32>
    tpu.vector_store %arg5[%swap3A_121, %swap3A_122], %swap3A_125 {strides = array<i32>} : memref<16x128xi32, #tpu.memory_space<vmem>>, vector<1x16xi32>,
    %get3A_126 = arith.constant 0 : i32
    %get3A_127 = arith.index_cast %get3A_126 : i32 to index
    %get3A_128 = arith.constant 96 : index
    %get3A_129 = tpu.vector_load %arg5[%get3A_127, %get3A_128] {strides = array<i32>} : memref<16x128xi32, #tpu.memory_space<vmem>>, vector<1x16xi32>,
    %get3A_130 = vector.shape_cast %get3A_129 : vector<1x16xi32> to vector<16xi32>
    %max3A_131 = arith.constant -1024 : i32
    %max3A_132 = vector.broadcast %max3A_131 : i32 to vector<16xi32>
    %max3A_133 = arith.maxsi %get3A_130, %max3A_132 : vector<16xi32>
    %min3A_134 = arith.constant 1024 : i32
    %min3A_135 = vector.broadcast %min3A_134 : i32 to vector<16xi32>
    %min3A_136 = arith.minsi %max3A_133, %min3A_135 : vector<16xi32>
    %select_n3A_137 = arith.select %ge3A_3, %min3A_136, %get3A_130 : vector<16xi32>
    %add3A_138 = vector.broadcast %add3A : i32 to vector<16xi32>
    %add3A_139 = arith.addi %select_n3A_137, %add3A_138 : vector<16xi32>
    %swap3A_140 = arith.constant 0 : i32
    %swap3A_141 = arith.index_cast %swap3A_140 : i32 to index
    %swap3A_142 = arith.constant 96 : index
    %swap3A_143 = tpu.vector_load %arg5[%swap3A_141, %swap3A_142] {strides = array<i32>} : memref<16x128xi32, #tpu.memory_space<vmem>>, vector<1x16xi32>,
    %swap3A_144 = vector.shape_cast %swap3A_143 : vector<1x16xi32> to vector<16xi32>
    %swap3A_145 = vector.shape_cast %add3A_139 : vector<16xi32> to vector<1x16xi32>
    tpu.vector_store %arg5[%swap3A_141, %swap3A_142], %swap3A_145 {strides = array<i32>} : memref<16x128xi32, #tpu.memory_space<vmem>>, vector<1x16xi32>,
    %get3A_146 = arith.constant 0 : i32
    %get3A_147 = arith.index_cast %get3A_146 : i32 to index
    %get3A_148 = arith.constant 112 : index
    %get3A_149 = tpu.vector_load %arg5[%get3A_147, %get3A_148] {strides = array<i32>} : memref<16x128xi32, #tpu.memory_space<vmem>>, vector<1x16xi32>,
    %get3A_150 = vector.shape_cast %get3A_149 : vector<1x16xi32> to vector<16xi32>
    %max3A_151 = arith.constant -1024 : i32
    %max3A_152 = vector.broadcast %max3A_151 : i32 to vector<16xi32>
    %max3A_153 = arith.maxsi %get3A_150, %max3A_152 : vector<16xi32>
    %min3A_154 = arith.constant 1024 : i32
    %min3A_155 = vector.broadcast %min3A_154 : i32 to vector<16xi32>
    %min3A_156 = arith.minsi %max3A_153, %min3A_155 : vector<16xi32>
    %select_n3A_157 = arith.select %ge3A_3, %min3A_156, %get3A_150 : vector<16xi32>
    %add3A_158 = vector.broadcast %add3A : i32 to vector<16xi32>
    %add3A_159 = arith.addi %select_n3A_157, %add3A_158 : vector<16xi32>
    %swap3A_160 = arith.constant 0 : i32
    %swap3A_161 = arith.index_cast %swap3A_160 : i32 to index
    %swap3A_162 = arith.constant 112 : index
    %swap3A_163 = tpu.vector_load %arg5[%swap3A_161, %swap3A_162] {strides = array<i32>} : memref<16x128xi32, #tpu.memory_space<vmem>>, vector<1x16xi32>,
    %swap3A_164 = vector.shape_cast %swap3A_163 : vector<1x16xi32> to vector<16xi32>
    %swap3A_165 = vector.shape_cast %add3A_159 : vector<16xi32> to vector<1x16xi32>
    tpu.vector_store %arg5[%swap3A_161, %swap3A_162], %swap3A_165 {strides = array<i32>} : memref<16x128xi32, #tpu.memory_space<vmem>>, vector<1x16xi32>,
    %dma_start3A = arith.constant 0 : i32
    %dma_start3A_166 = arith.constant 0 : i32
    %dma_start3A_167 = arith.constant 0 : i32
    %dma_start3A_168 = arith.constant 0 : i32
    %dma_start3A_169 = arith.constant 0 : i32
    %dma_start3A_170 = tpu.memref_slice %arg6[%dma_start3A_166, %dma_start3A_168, %dma_start3A_169] : memref<6x128x128xf32, #tpu.memory_space<vmem>> -> memref<1x128x128xf32, #tpu.memory_space<vmem>>
    %dma_start3A_171 = tpu.memref_squeeze %dma_start3A_170 : memref<1x128x128xf32, #tpu.memory_space<vmem>> -> memref<128x128xf32, #tpu.memory_space<vmem>>
    %dma_start3A_172 = arith.constant 0 : i32
    %dma_start3A_173 = tpu.memref_slice %arg5[%dma_start3A, %dma_start3A_172] : memref<16x128xi32, #tpu.memory_space<vmem>> -> memref<1x128xi32, #tpu.memory_space<vmem>>
    %dma_start3A_174 = tpu.memref_squeeze %dma_start3A_173 : memref<1x128xi32, #tpu.memory_space<vmem>> -> memref<128xi32, #tpu.memory_space<vmem>>
    %dma_start3A_175 = arith.constant 0 : i32
    %dma_start3A_176 = arith.constant 0 : i32
    %dma_start3A_177 = tpu.memref_slice %arg3[%dma_start3A_175, %dma_start3A_176] : memref<10256x128xf32, #tpu.memory_space<hbm>> -> memref<10256x128xf32, #tpu.memory_space<hbm>>
    %dma_start3A_178 = tpu.memref_slice %arg7[%dma_start3A_167] : memref<6x!tpu.dma_semaphore, #tpu.memory_space<semaphore_mem>> -> memref<1x!tpu.dma_semaphore, #tpu.memory_space<semaphore_mem>>
    %dma_start3A_179 = tpu.memref_squeeze %dma_start3A_178 : memref<1x!tpu.dma_semaphore, #tpu.memory_space<semaphore_mem>> -> memref<!tpu.dma_semaphore, #tpu.memory_space<semaphore_mem>>
    tpu.enqueue_indirect_dma source(%dma_start3A_177 : memref<10256x128xf32, #tpu.memory_space<hbm>>) target(%dma_start3A_171 : memref<128x128xf32, #tpu.memory_space<vmem>>) offsets(%dma_start3A_174 : memref<128xi32, #tpu.memory_space<vmem>>) semaphore(%dma_start3A_179 : memref<!tpu.dma_semaphore, #tpu.memory_space<semaphore_mem>>)
    %get3A_180 = arith.constant 1 : i32
    %get3A_181 = arith.index_cast %get3A_180 : i32 to index
    %get3A_182 = arith.constant 0 : index
    %get3A_183 = tpu.vector_load %arg5[%get3A_181, %get3A_182] {strides = array<i32>} : memref<16x128xi32, #tpu.memory_space<vmem>>, vector<1x16xi32>,
    %get3A_184 = vector.shape_cast %get3A_183 : vector<1x16xi32> to vector<16xi32>
    %max3A_185 = arith.constant -1024 : i32
    %max3A_186 = vector.broadcast %max3A_185 : i32 to vector<16xi32>
    %max3A_187 = arith.maxsi %get3A_184, %max3A_186 : vector<16xi32>
    %min3A_188 = arith.constant 1024 : i32
    %min3A_189 = vector.broadcast %min3A_188 : i32 to vector<16xi32>
    %min3A_190 = arith.minsi %max3A_187, %min3A_189 : vector<16xi32>
    %select_n3A_191 = arith.select %ge3A_3, %min3A_190, %get3A_184 : vector<16xi32>
    %add3A_192 = vector.broadcast %add3A : i32 to vector<16xi32>
    %add3A_193 = arith.addi %select_n3A_191, %add3A_192 : vector<16xi32>
    %swap3A_194 = arith.constant 1 : i32
    %swap3A_195 = arith.index_cast %swap3A_194 : i32 to index
    %swap3A_196 = arith.constant 0 : index
    %swap3A_197 = tpu.vector_load %arg5[%swap3A_195, %swap3A_196] {strides = array<i32>} : memref<16x128xi32, #tpu.memory_space<vmem>>, vector<1x16xi32>,
    %swap3A_198 = vector.shape_cast %swap3A_197 : vector<1x16xi32> to vector<16xi32>
    %swap3A_199 = vector.shape_cast %add3A_193 : vector<16xi32> to vector<1x16xi32>
    tpu.vector_store %arg5[%swap3A_195, %swap3A_196], %swap3A_199 {strides = array<i32>} : memref<16x128xi32, #tpu.memory_space<vmem>>, vector<1x16xi32>,
    %get3A_200 = arith.constant 1 : i32
    %get3A_201 = arith.index_cast %get3A_200 : i32 to index
    %get3A_202 = arith.constant 16 : index
    %get3A_203 = tpu.vector_load %arg5[%get3A_201, %get3A_202] {strides = array<i32>} : memref<16x128xi32, #tpu.memory_space<vmem>>, vector<1x16xi32>,
    %get3A_204 = vector.shape_cast %get3A_203 : vector<1x16xi32> to vector<16xi32>
    %max3A_205 = arith.constant -1024 : i32
    %max3A_206 = vector.broadcast %max3A_205 : i32 to vector<16xi32>
    %max3A_207 = arith.maxsi %get3A_204, %max3A_206 : vector<16xi32>
    %min3A_208 = arith.constant 1024 : i32
    %min3A_209 = vector.broadcast %min3A_208 : i32 to vector<16xi32>
    %min3A_210 = arith.minsi %max3A_207, %min3A_209 : vector<16xi32>
    %select_n3A_211 = arith.select %ge3A_3, %min3A_210, %get3A_204 : vector<16xi32>
    %add3A_212 = vector.broadcast %add3A : i32 to vector<16xi32>
    %add3A_213 = arith.addi %select_n3A_211, %add3A_212 : vector<16xi32>
    %swap3A_214 = arith.constant 1 : i32
    %swap3A_215 = arith.index_cast %swap3A_214 : i32 to index
    %swap3A_216 = arith.constant 16 : index
    %swap3A_217 = tpu.vector_load %arg5[%swap3A_215, %swap3A_216] {strides = array<i32>} : memref<16x128xi32, #tpu.memory_space<vmem>>, vector<1x16xi32>,
    %swap3A_218 = vector.shape_cast %swap3A_217 : vector<1x16xi32> to vector<16xi32>
    %swap3A_219 = vector.shape_cast %add3A_213 : vector<16xi32> to vector<1x16xi32>
    tpu.vector_store %arg5[%swap3A_215, %swap3A_216], %swap3A_219 {strides = array<i32>} : memref<16x128xi32, #tpu.memory_space<vmem>>, vector<1x16xi32>,
    %get3A_220 = arith.constant 1 : i32
    %get3A_221 = arith.index_cast %get3A_220 : i32 to index
    %get3A_222 = arith.constant 32 : index
    %get3A_223 = tpu.vector_load %arg5[%get3A_221, %get3A_222] {strides = array<i32>} : memref<16x128xi32, #tpu.memory_space<vmem>>, vector<1x16xi32>,
    %get3A_224 = vector.shape_cast %get3A_223 : vector<1x16xi32> to vector<16xi32>
    %max3A_225 = arith.constant -1024 : i32
    %max3A_226 = vector.broadcast %max3A_225 : i32 to vector<16xi32>
    %max3A_227 = arith.maxsi %get3A_224, %max3A_226 : vector<16xi32>
    %min3A_228 = arith.constant 1024 : i32
    %min3A_229 = vector.broadcast %min3A_228 : i32 to vector<16xi32>
    %min3A_230 = arith.minsi %max3A_227, %min3A_229 : vector<16xi32>
    %select_n3A_231 = arith.select %ge3A_3, %min3A_230, %get3A_224 : vector<16xi32>
    %add3A_232 = vector.broadcast %add3A : i32 to vector<16xi32>
    %add3A_233 = arith.addi %select_n3A_231, %add3A_232 : vector<16xi32>
    %swap3A_234 = arith.constant 1 : i32
    %swap3A_235 = arith.index_cast %swap3A_234 : i32 to index
    %swap3A_236 = arith.constant 32 : index
    %swap3A_237 = tpu.vector_load %arg5[%swap3A_235, %swap3A_236] {strides = array<i32>} : memref<16x128xi32, #tpu.memory_space<vmem>>, vector<1x16xi32>,
    %swap3A_238 = vector.shape_cast %swap3A_237 : vector<1x16xi32> to vector<16xi32>
    %swap3A_239 = vector.shape_cast %add3A_233 : vector<16xi32> to vector<1x16xi32>
    tpu.vector_store %arg5[%swap3A_235, %swap3A_236], %swap3A_239 {strides = array<i32>} : memref<16x128xi32, #tpu.memory_space<vmem>>, vector<1x16xi32>,
    %get3A_240 = arith.constant 1 : i32
    %get3A_241 = arith.index_cast %get3A_240 : i32 to index
    %get3A_242 = arith.constant 48 : index
    %get3A_243 = tpu.vector_load %arg5[%get3A_241, %get3A_242] {strides = array<i32>} : memref<16x128xi32, #tpu.memory_space<vmem>>, vector<1x16xi32>,
    %get3A_244 = vector.shape_cast %get3A_243 : vector<1x16xi32> to vector<16xi32>
    %max3A_245 = arith.constant -1024 : i32
    %max3A_246 = vector.broadcast %max3A_245 : i32 to vector<16xi32>
    %max3A_247 = arith.maxsi %get3A_244, %max3A_246 : vector<16xi32>
    %min3A_248 = arith.constant 1024 : i32
    %min3A_249 = vector.broadcast %min3A_248 : i32 to vector<16xi32>
    %min3A_250 = arith.minsi %max3A_247, %min3A_249 : vector<16xi32>
    %select_n3A_251 = arith.select %ge3A_3, %min3A_250, %get3A_244 : vector<16xi32>
    %add3A_252 = vector.broadcast %add3A : i32 to vector<16xi32>
    %add3A_253 = arith.addi %select_n3A_251, %add3A_252 : vector<16xi32>
    %swap3A_254 = arith.constant 1 : i32
    %swap3A_255 = arith.index_cast %swap3A_254 : i32 to index
    %swap3A_256 = arith.constant 48 : index
    %swap3A_257 = tpu.vector_load %arg5[%swap3A_255, %swap3A_256] {strides = array<i32>} : memref<16x128xi32, #tpu.memory_space<vmem>>, vector<1x16xi32>,
    %swap3A_258 = vector.shape_cast %swap3A_257 : vector<1x16xi32> to vector<16xi32>
    %swap3A_259 = vector.shape_cast %add3A_253 : vector<16xi32> to vector<1x16xi32>
    tpu.vector_store %arg5[%swap3A_255, %swap3A_256], %swap3A_259 {strides = array<i32>} : memref<16x128xi32, #tpu.memory_space<vmem>>, vector<1x16xi32>,
    %get3A_260 = arith.constant 1 : i32
    %get3A_261 = arith.index_cast %get3A_260 : i32 to index
    %get3A_262 = arith.constant 64 : index
    %get3A_263 = tpu.vector_load %arg5[%get3A_261, %get3A_262] {strides = array<i32>} : memref<16x128xi32, #tpu.memory_space<vmem>>, vector<1x16xi32>,
    %get3A_264 = vector.shape_cast %get3A_263 : vector<1x16xi32> to vector<16xi32>
    %max3A_265 = arith.constant -1024 : i32
    %max3A_266 = vector.broadcast %max3A_265 : i32 to vector<16xi32>
    %max3A_267 = arith.maxsi %get3A_264, %max3A_266 : vector<16xi32>
    %min3A_268 = arith.constant 1024 : i32
    %min3A_269 = vector.broadcast %min3A_268 : i32 to vector<16xi32>
    %min3A_270 = arith.minsi %max3A_267, %min3A_269 : vector<16xi32>
    %select_n3A_271 = arith.select %ge3A_3, %min3A_270, %get3A_264 : vector<16xi32>
    %add3A_272 = vector.broadcast %add3A : i32 to vector<16xi32>
    %add3A_273 = arith.addi %select_n3A_271, %add3A_272 : vector<16xi32>
    %swap3A_274 = arith.constant 1 : i32
    %swap3A_275 = arith.index_cast %swap3A_274 : i32 to index
    %swap3A_276 = arith.constant 64 : index
    %swap3A_277 = tpu.vector_load %arg5[%swap3A_275, %swap3A_276] {strides = array<i32>} : memref<16x128xi32, #tpu.memory_space<vmem>>, vector<1x16xi32>,
    %swap3A_278 = vector.shape_cast %swap3A_277 : vector<1x16xi32> to vector<16xi32>
    %swap3A_279 = vector.shape_cast %add3A_273 : vector<16xi32> to vector<1x16xi32>
    tpu.vector_store %arg5[%swap3A_275, %swap3A_276], %swap3A_279 {strides = array<i32>} : memref<16x128xi32, #tpu.memory_space<vmem>>, vector<1x16xi32>,
    %get3A_280 = arith.constant 1 : i32
    %get3A_281 = arith.index_cast %get3A_280 : i32 to index
    %get3A_282 = arith.constant 80 : index
    %get3A_283 = tpu.vector_load %arg5[%get3A_281, %get3A_282] {strides = array<i32>} : memref<16x128xi32, #tpu.memory_space<vmem>>, vector<1x16xi32>,
    %get3A_284 = vector.shape_cast %get3A_283 : vector<1x16xi32> to vector<16xi32>
    %max3A_285 = arith.constant -1024 : i32
    %max3A_286 = vector.broadcast %max3A_285 : i32 to vector<16xi32>
    %max3A_287 = arith.maxsi %get3A_284, %max3A_286 : vector<16xi32>
    %min3A_288 = arith.constant 1024 : i32
    %min3A_289 = vector.broadcast %min3A_288 : i32 to vector<16xi32>
    %min3A_290 = arith.minsi %max3A_287, %min3A_289 : vector<16xi32>
    %select_n3A_291 = arith.select %ge3A_3, %min3A_290, %get3A_284 : vector<16xi32>
    %add3A_292 = vector.broadcast %add3A : i32 to vector<16xi32>
    %add3A_293 = arith.addi %select_n3A_291, %add3A_292 : vector<16xi32>
    %swap3A_294 = arith.constant 1 : i32
    %swap3A_295 = arith.index_cast %swap3A_294 : i32 to index
    %swap3A_296 = arith.constant 80 : index
    %swap3A_297 = tpu.vector_load %arg5[%swap3A_295, %swap3A_296] {strides = array<i32>} : memref<16x128xi32, #tpu.memory_space<vmem>>, vector<1x16xi32>,
    %swap3A_298 = vector.shape_cast %swap3A_297 : vector<1x16xi32> to vector<16xi32>
    %swap3A_299 = vector.shape_cast %add3A_293 : vector<16xi32> to vector<1x16xi32>
    tpu.vector_store %arg5[%swap3A_295, %swap3A_296], %swap3A_299 {strides = array<i32>} : memref<16x128xi32, #tpu.memory_space<vmem>>, vector<1x16xi32>,
    %get3A_300 = arith.constant 1 : i32
    %get3A_301 = arith.index_cast %get3A_300 : i32 to index
    %get3A_302 = arith.constant 96 : index
    %get3A_303 = tpu.vector_load %arg5[%get3A_301, %get3A_302] {strides = array<i32>} : memref<16x128xi32, #tpu.memory_space<vmem>>, vector<1x16xi32>,
    %get3A_304 = vector.shape_cast %get3A_303 : vector<1x16xi32> to vector<16xi32>
    %max3A_305 = arith.constant -1024 : i32
    %max3A_306 = vector.broadcast %max3A_305 : i32 to vector<16xi32>
    %max3A_307 = arith.maxsi %get3A_304, %max3A_306 : vector<16xi32>
    %min3A_308 = arith.constant 1024 : i32
    %min3A_309 = vector.broadcast %min3A_308 : i32 to vector<16xi32>
    %min3A_310 = arith.minsi %max3A_307, %min3A_309 : vector<16xi32>
    %select_n3A_311 = arith.select %ge3A_3, %min3A_310, %get3A_304 : vector<16xi32>
    %add3A_312 = vector.broadcast %add3A : i32 to vector<16xi32>
    %add3A_313 = arith.addi %select_n3A_311, %add3A_312 : vector<16xi32>
    %swap3A_314 = arith.constant 1 : i32
    %swap3A_315 = arith.index_cast %swap3A_314 : i32 to index
    %swap3A_316 = arith.constant 96 : index
    %swap3A_317 = tpu.vector_load %arg5[%swap3A_315, %swap3A_316] {strides = array<i32>} : memref<16x128xi32, #tpu.memory_space<vmem>>, vector<1x16xi32>,
    %swap3A_318 = vector.shape_cast %swap3A_317 : vector<1x16xi32> to vector<16xi32>
    %swap3A_319 = vector.shape_cast %add3A_313 : vector<16xi32> to vector<1x16xi32>
    tpu.vector_store %arg5[%swap3A_315, %swap3A_316], %swap3A_319 {strides = array<i32>} : memref<16x128xi32, #tpu.memory_space<vmem>>, vector<1x16xi32>,
    %get3A_320 = arith.constant 1 : i32
    %get3A_321 = arith.index_cast %get3A_320 : i32 to index
    %get3A_322 = arith.constant 112 : index
    %get3A_323 = tpu.vector_load %arg5[%get3A_321, %get3A_322] {strides = array<i32>} : memref<16x128xi32, #tpu.memory_space<vmem>>, vector<1x16xi32>,
    %get3A_324 = vector.shape_cast %get3A_323 : vector<1x16xi32> to vector<16xi32>
    %max3A_325 = arith.constant -1024 : i32
    %max3A_326 = vector.broadcast %max3A_325 : i32 to vector<16xi32>
    %max3A_327 = arith.maxsi %get3A_324, %max3A_326 : vector<16xi32>
    %min3A_328 = arith.constant 1024 : i32
    %min3A_329 = vector.broadcast %min3A_328 : i32 to vector<16xi32>
    %min3A_330 = arith.minsi %max3A_327, %min3A_329 : vector<16xi32>
    %select_n3A_331 = arith.select %ge3A_3, %min3A_330, %get3A_324 : vector<16xi32>
    %add3A_332 = vector.broadcast %add3A : i32 to vector<16xi32>
    %add3A_333 = arith.addi %select_n3A_331, %add3A_332 : vector<16xi32>
    %swap3A_334 = arith.constant 1 : i32
    %swap3A_335 = arith.index_cast %swap3A_334 : i32 to index
    %swap3A_336 = arith.constant 112 : index
    %swap3A_337 = tpu.vector_load %arg5[%swap3A_335, %swap3A_336] {strides = array<i32>} : memref<16x128xi32, #tpu.memory_space<vmem>>, vector<1x16xi32>,
    %swap3A_338 = vector.shape_cast %swap3A_337 : vector<1x16xi32> to vector<16xi32>
    %swap3A_339 = vector.shape_cast %add3A_333 : vector<16xi32> to vector<1x16xi32>
    tpu.vector_store %arg5[%swap3A_335, %swap3A_336], %swap3A_339 {strides = array<i32>} : memref<16x128xi32, #tpu.memory_space<vmem>>, vector<1x16xi32>,
    %dma_start3A_340 = arith.constant 1 : i32
    %dma_start3A_341 = arith.constant 1 : i32
    %dma_start3A_342 = arith.constant 1 : i32
    %dma_start3A_343 = arith.constant 0 : i32
    %dma_start3A_344 = arith.constant 0 : i32
    %dma_start3A_345 = tpu.memref_slice %arg6[%dma_start3A_341, %dma_start3A_343, %dma_start3A_344] : memref<6x128x128xf32, #tpu.memory_space<vmem>> -> memref<1x128x128xf32, #tpu.memory_space<vmem>>
    %dma_start3A_346 = tpu.memref_squeeze %dma_start3A_345 : memref<1x128x128xf32, #tpu.memory_space<vmem>> -> memref<128x128xf32, #tpu.memory_space<vmem>>
    %dma_start3A_347 = arith.constant 0 : i32
    %dma_start3A_348 = tpu.memref_slice %arg5[%dma_start3A_340, %dma_start3A_347] : memref<16x128xi32, #tpu.memory_space<vmem>> -> memref<1x128xi32, #tpu.memory_space<vmem>>
    %dma_start3A_349 = tpu.memref_squeeze %dma_start3A_348 : memref<1x128xi32, #tpu.memory_space<vmem>> -> memref<128xi32, #tpu.memory_space<vmem>>
    %dma_start3A_350 = arith.constant 0 : i32
    %dma_start3A_351 = arith.constant 0 : i32
    %dma_start3A_352 = tpu.memref_slice %arg3[%dma_start3A_350, %dma_start3A_351] : memref<10256x128xf32, #tpu.memory_space<hbm>> -> memref<10256x128xf32, #tpu.memory_space<hbm>>
    %dma_start3A_353 = tpu.memref_slice %arg7[%dma_start3A_342] : memref<6x!tpu.dma_semaphore, #tpu.memory_space<semaphore_mem>> -> memref<1x!tpu.dma_semaphore, #tpu.memory_space<semaphore_mem>>
    %dma_start3A_354 = tpu.memref_squeeze %dma_start3A_353 : memref<1x!tpu.dma_semaphore, #tpu.memory_space<semaphore_mem>> -> memref<!tpu.dma_semaphore, #tpu.memory_space<semaphore_mem>>
    tpu.enqueue_indirect_dma source(%dma_start3A_352 : memref<10256x128xf32, #tpu.memory_space<hbm>>) target(%dma_start3A_346 : memref<128x128xf32, #tpu.memory_space<vmem>>) offsets(%dma_start3A_349 : memref<128xi32, #tpu.memory_space<vmem>>) semaphore(%dma_start3A_354 : memref<!tpu.dma_semaphore, #tpu.memory_space<semaphore_mem>>)
    %get3A_355 = arith.constant 2 : i32
    %get3A_356 = arith.index_cast %get3A_355 : i32 to index
    %get3A_357 = arith.constant 0 : index
    %get3A_358 = tpu.vector_load %arg5[%get3A_356, %get3A_357] {strides = array<i32>} : memref<16x128xi32, #tpu.memory_space<vmem>>, vector<1x16xi32>,
    %get3A_359 = vector.shape_cast %get3A_358 : vector<1x16xi32> to vector<16xi32>
    %max3A_360 = arith.constant -1024 : i32
    %max3A_361 = vector.broadcast %max3A_360 : i32 to vector<16xi32>
    %max3A_362 = arith.maxsi %get3A_359, %max3A_361 : vector<16xi32>
    %min3A_363 = arith.constant 1024 : i32
    %min3A_364 = vector.broadcast %min3A_363 : i32 to vector<16xi32>
    %min3A_365 = arith.minsi %max3A_362, %min3A_364 : vector<16xi32>
    %select_n3A_366 = arith.select %ge3A_3, %min3A_365, %get3A_359 : vector<16xi32>
    %add3A_367 = vector.broadcast %add3A : i32 to vector<16xi32>
    %add3A_368 = arith.addi %select_n3A_366, %add3A_367 : vector<16xi32>
    %swap3A_369 = arith.constant 2 : i32
    %swap3A_370 = arith.index_cast %swap3A_369 : i32 to index
    %swap3A_371 = arith.constant 0 : index
    %swap3A_372 = tpu.vector_load %arg5[%swap3A_370, %swap3A_371] {strides = array<i32>} : memref<16x128xi32, #tpu.memory_space<vmem>>, vector<1x16xi32>,
    %swap3A_373 = vector.shape_cast %swap3A_372 : vector<1x16xi32> to vector<16xi32>
    %swap3A_374 = vector.shape_cast %add3A_368 : vector<16xi32> to vector<1x16xi32>
    tpu.vector_store %arg5[%swap3A_370, %swap3A_371], %swap3A_374 {strides = array<i32>} : memref<16x128xi32, #tpu.memory_space<vmem>>, vector<1x16xi32>,
    %get3A_375 = arith.constant 2 : i32
    %get3A_376 = arith.index_cast %get3A_375 : i32 to index
    %get3A_377 = arith.constant 16 : index
    %get3A_378 = tpu.vector_load %arg5[%get3A_376, %get3A_377] {strides = array<i32>} : memref<16x128xi32, #tpu.memory_space<vmem>>, vector<1x16xi32>,
    %get3A_379 = vector.shape_cast %get3A_378 : vector<1x16xi32> to vector<16xi32>
    %max3A_380 = arith.constant -1024 : i32
    %max3A_381 = vector.broadcast %max3A_380 : i32 to vector<16xi32>
    %max3A_382 = arith.maxsi %get3A_379, %max3A_381 : vector<16xi32>
    %min3A_383 = arith.constant 1024 : i32
    %min3A_384 = vector.broadcast %min3A_383 : i32 to vector<16xi32>
    %min3A_385 = arith.minsi %max3A_382, %min3A_384 : vector<16xi32>
    %select_n3A_386 = arith.select %ge3A_3, %min3A_385, %get3A_379 : vector<16xi32>
    %add3A_387 = vector.broadcast %add3A : i32 to vector<16xi32>
    %add3A_388 = arith.addi %select_n3A_386, %add3A_387 : vector<16xi32>
    %swap3A_389 = arith.constant 2 : i32
    %swap3A_390 = arith.index_cast %swap3A_389 : i32 to index
    %swap3A_391 = arith.constant 16 : index
    %swap3A_392 = tpu.vector_load %arg5[%swap3A_390, %swap3A_391] {strides = array<i32>} : memref<16x128xi32, #tpu.memory_space<vmem>>, vector<1x16xi32>,
    %swap3A_393 = vector.shape_cast %swap3A_392 : vector<1x16xi32> to vector<16xi32>
    %swap3A_394 = vector.shape_cast %add3A_388 : vector<16xi32> to vector<1x16xi32>
    tpu.vector_store %arg5[%swap3A_390, %swap3A_391], %swap3A_394 {strides = array<i32>} : memref<16x128xi32, #tpu.memory_space<vmem>>, vector<1x16xi32>,
    %get3A_395 = arith.constant 2 : i32
    %get3A_396 = arith.index_cast %get3A_395 : i32 to index
    %get3A_397 = arith.constant 32 : index
    %get3A_398 = tpu.vector_load %arg5[%get3A_396, %get3A_397] {strides = array<i32>} : memref<16x128xi32, #tpu.memory_space<vmem>>, vector<1x16xi32>,
    %get3A_399 = vector.shape_cast %get3A_398 : vector<1x16xi32> to vector<16xi32>
    %max3A_400 = arith.constant -1024 : i32
    %max3A_401 = vector.broadcast %max3A_400 : i32 to vector<16xi32>
    %max3A_402 = arith.maxsi %get3A_399, %max3A_401 : vector<16xi32>
    %min3A_403 = arith.constant 1024 : i32
    %min3A_404 = vector.broadcast %min3A_403 : i32 to vector<16xi32>
    %min3A_405 = arith.minsi %max3A_402, %min3A_404 : vector<16xi32>
    %select_n3A_406 = arith.select %ge3A_3, %min3A_405, %get3A_399 : vector<16xi32>
    %add3A_407 = vector.broadcast %add3A : i32 to vector<16xi32>
    %add3A_408 = arith.addi %select_n3A_406, %add3A_407 : vector<16xi32>
    %swap3A_409 = arith.constant 2 : i32
    %swap3A_410 = arith.index_cast %swap3A_409 : i32 to index
    %swap3A_411 = arith.constant 32 : index
    %swap3A_412 = tpu.vector_load %arg5[%swap3A_410, %swap3A_411] {strides = array<i32>} : memref<16x128xi32, #tpu.memory_space<vmem>>, vector<1x16xi32>,
    %swap3A_413 = vector.shape_cast %swap3A_412 : vector<1x16xi32> to vector<16xi32>
    %swap3A_414 = vector.shape_cast %add3A_408 : vector<16xi32> to vector<1x16xi32>
    tpu.vector_store %arg5[%swap3A_410, %swap3A_411], %swap3A_414 {strides = array<i32>} : memref<16x128xi32, #tpu.memory_space<vmem>>, vector<1x16xi32>,
    %get3A_415 = arith.constant 2 : i32
    %get3A_416 = arith.index_cast %get3A_415 : i32 to index
    %get3A_417 = arith.constant 48 : index
    %get3A_418 = tpu.vector_load %arg5[%get3A_416, %get3A_417] {strides = array<i32>} : memref<16x128xi32, #tpu.memory_space<vmem>>, vector<1x16xi32>,
    %get3A_419 = vector.shape_cast %get3A_418 : vector<1x16xi32> to vector<16xi32>
    %max3A_420 = arith.constant -1024 : i32
    %max3A_421 = vector.broadcast %max3A_420 : i32 to vector<16xi32>
    %max3A_422 = arith.maxsi %get3A_419, %max3A_421 : vector<16xi32>
    %min3A_423 = arith.constant 1024 : i32
    %min3A_424 = vector.broadcast %min3A_423 : i32 to vector<16xi32>
    %min3A_425 = arith.minsi %max3A_422, %min3A_424 : vector<16xi32>
    %select_n3A_426 = arith.select %ge3A_3, %min3A_425, %get3A_419 : vector<16xi32>
    %add3A_427 = vector.broadcast %add3A : i32 to vector<16xi32>
    %add3A_428 = arith.addi %select_n3A_426, %add3A_427 : vector<16xi32>
    %swap3A_429 = arith.constant 2 : i32
    %swap3A_430 = arith.index_cast %swap3A_429 : i32 to index
    %swap3A_431 = arith.constant 48 : index
    %swap3A_432 = tpu.vector_load %arg5[%swap3A_430, %swap3A_431] {strides = array<i32>} : memref<16x128xi32, #tpu.memory_space<vmem>>, vector<1x16xi32>,
    %swap3A_433 = vector.shape_cast %swap3A_432 : vector<1x16xi32> to vector<16xi32>
    %swap3A_434 = vector.shape_cast %add3A_428 : vector<16xi32> to vector<1x16xi32>
    tpu.vector_store %arg5[%swap3A_430, %swap3A_431], %swap3A_434 {strides = array<i32>} : memref<16x128xi32, #tpu.memory_space<vmem>>, vector<1x16xi32>,
    %get3A_435 = arith.constant 2 : i32
    %get3A_436 = arith.index_cast %get3A_435 : i32 to index
    %get3A_437 = arith.constant 64 : index
    %get3A_438 = tpu.vector_load %arg5[%get3A_436, %get3A_437] {strides = array<i32>} : memref<16x128xi32, #tpu.memory_space<vmem>>, vector<1x16xi32>,
    %get3A_439 = vector.shape_cast %get3A_438 : vector<1x16xi32> to vector<16xi32>
    %max3A_440 = arith.constant -1024 : i32
    %max3A_441 = vector.broadcast %max3A_440 : i32 to vector<16xi32>
    %max3A_442 = arith.maxsi %get3A_439, %max3A_441 : vector<16xi32>
    %min3A_443 = arith.constant 1024 : i32
    %min3A_444 = vector.broadcast %min3A_443 : i32 to vector<16xi32>
    %min3A_445 = arith.minsi %max3A_442, %min3A_444 : vector<16xi32>
    %select_n3A_446 = arith.select %ge3A_3, %min3A_445, %get3A_439 : vector<16xi32>
    %add3A_447 = vector.broadcast %add3A : i32 to vector<16xi32>
    %add3A_448 = arith.addi %select_n3A_446, %add3A_447 : vector<16xi32>
    %swap3A_449 = arith.constant 2 : i32
    %swap3A_450 = arith.index_cast %swap3A_449 : i32 to index
    %swap3A_451 = arith.constant 64 : index
    %swap3A_452 = tpu.vector_load %arg5[%swap3A_450, %swap3A_451] {strides = array<i32>} : memref<16x128xi32, #tpu.memory_space<vmem>>, vector<1x16xi32>,
    %swap3A_453 = vector.shape_cast %swap3A_452 : vector<1x16xi32> to vector<16xi32>
    %swap3A_454 = vector.shape_cast %add3A_448 : vector<16xi32> to vector<1x16xi32>
    tpu.vector_store %arg5[%swap3A_450, %swap3A_451], %swap3A_454 {strides = array<i32>} : memref<16x128xi32, #tpu.memory_space<vmem>>, vector<1x16xi32>,
    %get3A_455 = arith.constant 2 : i32
    %get3A_456 = arith.index_cast %get3A_455 : i32 to index
    %get3A_457 = arith.constant 80 : index
    %get3A_458 = tpu.vector_load %arg5[%get3A_456, %get3A_457] {strides = array<i32>} : memref<16x128xi32, #tpu.memory_space<vmem>>, vector<1x16xi32>,
    %get3A_459 = vector.shape_cast %get3A_458 : vector<1x16xi32> to vector<16xi32>
    %max3A_460 = arith.constant -1024 : i32
    %max3A_461 = vector.broadcast %max3A_460 : i32 to vector<16xi32>
    %max3A_462 = arith.maxsi %get3A_459, %max3A_461 : vector<16xi32>
    %min3A_463 = arith.constant 1024 : i32
    %min3A_464 = vector.broadcast %min3A_463 : i32 to vector<16xi32>
    %min3A_465 = arith.minsi %max3A_462, %min3A_464 : vector<16xi32>
    %select_n3A_466 = arith.select %ge3A_3, %min3A_465, %get3A_459 : vector<16xi32>
    %add3A_467 = vector.broadcast %add3A : i32 to vector<16xi32>
    %add3A_468 = arith.addi %select_n3A_466, %add3A_467 : vector<16xi32>
    %swap3A_469 = arith.constant 2 : i32
    %swap3A_470 = arith.index_cast %swap3A_469 : i32 to index
    %swap3A_471 = arith.constant 80 : index
    %swap3A_472 = tpu.vector_load %arg5[%swap3A_470, %swap3A_471] {strides = array<i32>} : memref<16x128xi32, #tpu.memory_space<vmem>>, vector<1x16xi32>,
    %swap3A_473 = vector.shape_cast %swap3A_472 : vector<1x16xi32> to vector<16xi32>
    %swap3A_474 = vector.shape_cast %add3A_468 : vector<16xi32> to vector<1x16xi32>
    tpu.vector_store %arg5[%swap3A_470, %swap3A_471], %swap3A_474 {strides = array<i32>} : memref<16x128xi32, #tpu.memory_space<vmem>>, vector<1x16xi32>,
    %get3A_475 = arith.constant 2 : i32
    %get3A_476 = arith.index_cast %get3A_475 : i32 to index
    %get3A_477 = arith.constant 96 : index
    %get3A_478 = tpu.vector_load %arg5[%get3A_476, %get3A_477] {strides = array<i32>} : memref<16x128xi32, #tpu.memory_space<vmem>>, vector<1x16xi32>,
    %get3A_479 = vector.shape_cast %get3A_478 : vector<1x16xi32> to vector<16xi32>
    %max3A_480 = arith.constant -1024 : i32
    %max3A_481 = vector.broadcast %max3A_480 : i32 to vector<16xi32>
    %max3A_482 = arith.maxsi %get3A_479, %max3A_481 : vector<16xi32>
    %min3A_483 = arith.constant 1024 : i32
    %min3A_484 = vector.broadcast %min3A_483 : i32 to vector<16xi32>
    %min3A_485 = arith.minsi %max3A_482, %min3A_484 : vector<16xi32>
    %select_n3A_486 = arith.select %ge3A_3, %min3A_485, %get3A_479 : vector<16xi32>
    %add3A_487 = vector.broadcast %add3A : i32 to vector<16xi32>
    %add3A_488 = arith.addi %select_n3A_486, %add3A_487 : vector<16xi32>
    %swap3A_489 = arith.constant 2 : i32
    %swap3A_490 = arith.index_cast %swap3A_489 : i32 to index
    %swap3A_491 = arith.constant 96 : index
    %swap3A_492 = tpu.vector_load %arg5[%swap3A_490, %swap3A_491] {strides = array<i32>} : memref<16x128xi32, #tpu.memory_space<vmem>>, vector<1x16xi32>,
    %swap3A_493 = vector.shape_cast %swap3A_492 : vector<1x16xi32> to vector<16xi32>
    %swap3A_494 = vector.shape_cast %add3A_488 : vector<16xi32> to vector<1x16xi32>
    tpu.vector_store %arg5[%swap3A_490, %swap3A_491], %swap3A_494 {strides = array<i32>} : memref<16x128xi32, #tpu.memory_space<vmem>>, vector<1x16xi32>,
    %get3A_495 = arith.constant 2 : i32
    %get3A_496 = arith.index_cast %get3A_495 : i32 to index
    %get3A_497 = arith.constant 112 : index
    %get3A_498 = tpu.vector_load %arg5[%get3A_496, %get3A_497] {strides = array<i32>} : memref<16x128xi32, #tpu.memory_space<vmem>>, vector<1x16xi32>,
    %get3A_499 = vector.shape_cast %get3A_498 : vector<1x16xi32> to vector<16xi32>
    %max3A_500 = arith.constant -1024 : i32
    %max3A_501 = vector.broadcast %max3A_500 : i32 to vector<16xi32>
    %max3A_502 = arith.maxsi %get3A_499, %max3A_501 : vector<16xi32>
    %min3A_503 = arith.constant 1024 : i32
    %min3A_504 = vector.broadcast %min3A_503 : i32 to vector<16xi32>
    %min3A_505 = arith.minsi %max3A_502, %min3A_504 : vector<16xi32>
    %select_n3A_506 = arith.select %ge3A_3, %min3A_505, %get3A_499 : vector<16xi32>
    %add3A_507 = vector.broadcast %add3A : i32 to vector<16xi32>
    %add3A_508 = arith.addi %select_n3A_506, %add3A_507 : vector<16xi32>
    %swap3A_509 = arith.constant 2 : i32
    %swap3A_510 = arith.index_cast %swap3A_509 : i32 to index
    %swap3A_511 = arith.constant 112 : index
    %swap3A_512 = tpu.vector_load %arg5[%swap3A_510, %swap3A_511] {strides = array<i32>} : memref<16x128xi32, #tpu.memory_space<vmem>>, vector<1x16xi32>,
    %swap3A_513 = vector.shape_cast %swap3A_512 : vector<1x16xi32> to vector<16xi32>
    %swap3A_514 = vector.shape_cast %add3A_508 : vector<16xi32> to vector<1x16xi32>
    tpu.vector_store %arg5[%swap3A_510, %swap3A_511], %swap3A_514 {strides = array<i32>} : memref<16x128xi32, #tpu.memory_space<vmem>>, vector<1x16xi32>,
    %dma_start3A_515 = arith.constant 2 : i32
    %dma_start3A_516 = arith.constant 2 : i32
    %dma_start3A_517 = arith.constant 2 : i32
    %dma_start3A_518 = arith.constant 0 : i32
    %dma_start3A_519 = arith.constant 0 : i32
    %dma_start3A_520 = tpu.memref_slice %arg6[%dma_start3A_516, %dma_start3A_518, %dma_start3A_519] : memref<6x128x128xf32, #tpu.memory_space<vmem>> -> memref<1x128x128xf32, #tpu.memory_space<vmem>>
    %dma_start3A_521 = tpu.memref_squeeze %dma_start3A_520 : memref<1x128x128xf32, #tpu.memory_space<vmem>> -> memref<128x128xf32, #tpu.memory_space<vmem>>
    %dma_start3A_522 = arith.constant 0 : i32
    %dma_start3A_523 = tpu.memref_slice %arg5[%dma_start3A_515, %dma_start3A_522] : memref<16x128xi32, #tpu.memory_space<vmem>> -> memref<1x128xi32, #tpu.memory_space<vmem>>
    %dma_start3A_524 = tpu.memref_squeeze %dma_start3A_523 : memref<1x128xi32, #tpu.memory_space<vmem>> -> memref<128xi32, #tpu.memory_space<vmem>>
    %dma_start3A_525 = arith.constant 0 : i32
    %dma_start3A_526 = arith.constant 0 : i32
    %dma_start3A_527 = tpu.memref_slice %arg3[%dma_start3A_525, %dma_start3A_526] : memref<10256x128xf32, #tpu.memory_space<hbm>> -> memref<10256x128xf32, #tpu.memory_space<hbm>>
    %dma_start3A_528 = tpu.memref_slice %arg7[%dma_start3A_517] : memref<6x!tpu.dma_semaphore, #tpu.memory_space<semaphore_mem>> -> memref<1x!tpu.dma_semaphore, #tpu.memory_space<semaphore_mem>>
    %dma_start3A_529 = tpu.memref_squeeze %dma_start3A_528 : memref<1x!tpu.dma_semaphore, #tpu.memory_space<semaphore_mem>> -> memref<!tpu.dma_semaphore, #tpu.memory_space<semaphore_mem>>
    tpu.enqueue_indirect_dma source(%dma_start3A_527 : memref<10256x128xf32, #tpu.memory_space<hbm>>) target(%dma_start3A_521 : memref<128x128xf32, #tpu.memory_space<vmem>>) offsets(%dma_start3A_524 : memref<128xi32, #tpu.memory_space<vmem>>) semaphore(%dma_start3A_529 : memref<!tpu.dma_semaphore, #tpu.memory_space<semaphore_mem>>)
    %get3A_530 = arith.constant 3 : i32
    %get3A_531 = arith.index_cast %get3A_530 : i32 to index
    %get3A_532 = arith.constant 0 : index
    %get3A_533 = tpu.vector_load %arg5[%get3A_531, %get3A_532] {strides = array<i32>} : memref<16x128xi32, #tpu.memory_space<vmem>>, vector<1x16xi32>,
    %get3A_534 = vector.shape_cast %get3A_533 : vector<1x16xi32> to vector<16xi32>
    %max3A_535 = arith.constant -1024 : i32
    %max3A_536 = vector.broadcast %max3A_535 : i32 to vector<16xi32>
    %max3A_537 = arith.maxsi %get3A_534, %max3A_536 : vector<16xi32>
    %min3A_538 = arith.constant 1024 : i32
    %min3A_539 = vector.broadcast %min3A_538 : i32 to vector<16xi32>
    %min3A_540 = arith.minsi %max3A_537, %min3A_539 : vector<16xi32>
    %select_n3A_541 = arith.select %ge3A_3, %min3A_540, %get3A_534 : vector<16xi32>
    %add3A_542 = vector.broadcast %add3A : i32 to vector<16xi32>
    %add3A_543 = arith.addi %select_n3A_541, %add3A_542 : vector<16xi32>
    %swap3A_544 = arith.constant 3 : i32
    %swap3A_545 = arith.index_cast %swap3A_544 : i32 to index
    %swap3A_546 = arith.constant 0 : index
    %swap3A_547 = tpu.vector_load %arg5[%swap3A_545, %swap3A_546] {strides = array<i32>} : memref<16x128xi32, #tpu.memory_space<vmem>>, vector<1x16xi32>,
    %swap3A_548 = vector.shape_cast %swap3A_547 : vector<1x16xi32> to vector<16xi32>
    %swap3A_549 = vector.shape_cast %add3A_543 : vector<16xi32> to vector<1x16xi32>
    tpu.vector_store %arg5[%swap3A_545, %swap3A_546], %swap3A_549 {strides = array<i32>} : memref<16x128xi32, #tpu.memory_space<vmem>>, vector<1x16xi32>,
    %get3A_550 = arith.constant 3 : i32
    %get3A_551 = arith.index_cast %get3A_550 : i32 to index
    %get3A_552 = arith.constant 16 : index
    %get3A_553 = tpu.vector_load %arg5[%get3A_551, %get3A_552] {strides = array<i32>} : memref<16x128xi32, #tpu.memory_space<vmem>>, vector<1x16xi32>,
    %get3A_554 = vector.shape_cast %get3A_553 : vector<1x16xi32> to vector<16xi32>
    %max3A_555 = arith.constant -1024 : i32
    %max3A_556 = vector.broadcast %max3A_555 : i32 to vector<16xi32>
    %max3A_557 = arith.maxsi %get3A_554, %max3A_556 : vector<16xi32>
    %min3A_558 = arith.constant 1024 : i32
    %min3A_559 = vector.broadcast %min3A_558 : i32 to vector<16xi32>
    %min3A_560 = arith.minsi %max3A_557, %min3A_559 : vector<16xi32>
    %select_n3A_561 = arith.select %ge3A_3, %min3A_560, %get3A_554 : vector<16xi32>
    %add3A_562 = vector.broadcast %add3A : i32 to vector<16xi32>
    %add3A_563 = arith.addi %select_n3A_561, %add3A_562 : vector<16xi32>
    %swap3A_564 = arith.constant 3 : i32
    %swap3A_565 = arith.index_cast %swap3A_564 : i32 to index
    %swap3A_566 = arith.constant 16 : index
    %swap3A_567 = tpu.vector_load %arg5[%swap3A_565, %swap3A_566] {strides = array<i32>} : memref<16x128xi32, #tpu.memory_space<vmem>>, vector<1x16xi32>,
    %swap3A_568 = vector.shape_cast %swap3A_567 : vector<1x16xi32> to vector<16xi32>
    %swap3A_569 = vector.shape_cast %add3A_563 : vector<16xi32> to vector<1x16xi32>
    tpu.vector_store %arg5[%swap3A_565, %swap3A_566], %swap3A_569 {strides = array<i32>} : memref<16x128xi32, #tpu.memory_space<vmem>>, vector<1x16xi32>,
    %get3A_570 = arith.constant 3 : i32
    %get3A_571 = arith.index_cast %get3A_570 : i32 to index
    %get3A_572 = arith.constant 32 : index
    %get3A_573 = tpu.vector_load %arg5[%get3A_571, %get3A_572] {strides = array<i32>} : memref<16x128xi32, #tpu.memory_space<vmem>>, vector<1x16xi32>,
    %get3A_574 = vector.shape_cast %get3A_573 : vector<1x16xi32> to vector<16xi32>
    %max3A_575 = arith.constant -1024 : i32
    %max3A_576 = vector.broadcast %max3A_575 : i32 to vector<16xi32>
    %max3A_577 = arith.maxsi %get3A_574, %max3A_576 : vector<16xi32>
    %min3A_578 = arith.constant 1024 : i32
    %min3A_579 = vector.broadcast %min3A_578 : i32 to vector<16xi32>
    %min3A_580 = arith.minsi %max3A_577, %min3A_579 : vector<16xi32>
    %select_n3A_581 = arith.select %ge3A_3, %min3A_580, %get3A_574 : vector<16xi32>
    %add3A_582 = vector.broadcast %add3A : i32 to vector<16xi32>
    %add3A_583 = arith.addi %select_n3A_581, %add3A_582 : vector<16xi32>
    %swap3A_584 = arith.constant 3 : i32
    %swap3A_585 = arith.index_cast %swap3A_584 : i32 to index
    %swap3A_586 = arith.constant 32 : index
    %swap3A_587 = tpu.vector_load %arg5[%swap3A_585, %swap3A_586] {strides = array<i32>} : memref<16x128xi32, #tpu.memory_space<vmem>>, vector<1x16xi32>,
    %swap3A_588 = vector.shape_cast %swap3A_587 : vector<1x16xi32> to vector<16xi32>
    %swap3A_589 = vector.shape_cast %add3A_583 : vector<16xi32> to vector<1x16xi32>
    tpu.vector_store %arg5[%swap3A_585, %swap3A_586], %swap3A_589 {strides = array<i32>} : memref<16x128xi32, #tpu.memory_space<vmem>>, vector<1x16xi32>,
    %get3A_590 = arith.constant 3 : i32
    %get3A_591 = arith.index_cast %get3A_590 : i32 to index
    %get3A_592 = arith.constant 48 : index
    %get3A_593 = tpu.vector_load %arg5[%get3A_591, %get3A_592] {strides = array<i32>} : memref<16x128xi32, #tpu.memory_space<vmem>>, vector<1x16xi32>,
    %get3A_594 = vector.shape_cast %get3A_593 : vector<1x16xi32> to vector<16xi32>
    %max3A_595 = arith.constant -1024 : i32
    %max3A_596 = vector.broadcast %max3A_595 : i32 to vector<16xi32>
    %max3A_597 = arith.maxsi %get3A_594, %max3A_596 : vector<16xi32>
    %min3A_598 = arith.constant 1024 : i32
    %min3A_599 = vector.broadcast %min3A_598 : i32 to vector<16xi32>
    %min3A_600 = arith.minsi %max3A_597, %min3A_599 : vector<16xi32>
    %select_n3A_601 = arith.select %ge3A_3, %min3A_600, %get3A_594 : vector<16xi32>
    %add3A_602 = vector.broadcast %add3A : i32 to vector<16xi32>
    %add3A_603 = arith.addi %select_n3A_601, %add3A_602 : vector<16xi32>
    %swap3A_604 = arith.constant 3 : i32
    %swap3A_605 = arith.index_cast %swap3A_604 : i32 to index
    %swap3A_606 = arith.constant 48 : index
    %swap3A_607 = tpu.vector_load %arg5[%swap3A_605, %swap3A_606] {strides = array<i32>} : memref<16x128xi32, #tpu.memory_space<vmem>>, vector<1x16xi32>,
    %swap3A_608 = vector.shape_cast %swap3A_607 : vector<1x16xi32> to vector<16xi32>
    %swap3A_609 = vector.shape_cast %add3A_603 : vector<16xi32> to vector<1x16xi32>
    tpu.vector_store %arg5[%swap3A_605, %swap3A_606], %swap3A_609 {strides = array<i32>} : memref<16x128xi32, #tpu.memory_space<vmem>>, vector<1x16xi32>,
    %get3A_610 = arith.constant 3 : i32
    %get3A_611 = arith.index_cast %get3A_610 : i32 to index
    %get3A_612 = arith.constant 64 : index
    %get3A_613 = tpu.vector_load %arg5[%get3A_611, %get3A_612] {strides = array<i32>} : memref<16x128xi32, #tpu.memory_space<vmem>>, vector<1x16xi32>,
    %get3A_614 = vector.shape_cast %get3A_613 : vector<1x16xi32> to vector<16xi32>
    %max3A_615 = arith.constant -1024 : i32
    %max3A_616 = vector.broadcast %max3A_615 : i32 to vector<16xi32>
    %max3A_617 = arith.maxsi %get3A_614, %max3A_616 : vector<16xi32>
    %min3A_618 = arith.constant 1024 : i32
    %min3A_619 = vector.broadcast %min3A_618 : i32 to vector<16xi32>
    %min3A_620 = arith.minsi %max3A_617, %min3A_619 : vector<16xi32>
    %select_n3A_621 = arith.select %ge3A_3, %min3A_620, %get3A_614 : vector<16xi32>
    %add3A_622 = vector.broadcast %add3A : i32 to vector<16xi32>
    %add3A_623 = arith.addi %select_n3A_621, %add3A_622 : vector<16xi32>
    %swap3A_624 = arith.constant 3 : i32
    %swap3A_625 = arith.index_cast %swap3A_624 : i32 to index
    %swap3A_626 = arith.constant 64 : index
    %swap3A_627 = tpu.vector_load %arg5[%swap3A_625, %swap3A_626] {strides = array<i32>} : memref<16x128xi32, #tpu.memory_space<vmem>>, vector<1x16xi32>,
    %swap3A_628 = vector.shape_cast %swap3A_627 : vector<1x16xi32> to vector<16xi32>
    %swap3A_629 = vector.shape_cast %add3A_623 : vector<16xi32> to vector<1x16xi32>
    tpu.vector_store %arg5[%swap3A_625, %swap3A_626], %swap3A_629 {strides = array<i32>} : memref<16x128xi32, #tpu.memory_space<vmem>>, vector<1x16xi32>,
    %get3A_630 = arith.constant 3 : i32
    %get3A_631 = arith.index_cast %get3A_630 : i32 to index
    %get3A_632 = arith.constant 80 : index
    %get3A_633 = tpu.vector_load %arg5[%get3A_631, %get3A_632] {strides = array<i32>} : memref<16x128xi32, #tpu.memory_space<vmem>>, vector<1x16xi32>,
    %get3A_634 = vector.shape_cast %get3A_633 : vector<1x16xi32> to vector<16xi32>
    %max3A_635 = arith.constant -1024 : i32
    %max3A_636 = vector.broadcast %max3A_635 : i32 to vector<16xi32>
    %max3A_637 = arith.maxsi %get3A_634, %max3A_636 : vector<16xi32>
    %min3A_638 = arith.constant 1024 : i32
    %min3A_639 = vector.broadcast %min3A_638 : i32 to vector<16xi32>
    %min3A_640 = arith.minsi %max3A_637, %min3A_639 : vector<16xi32>
    %select_n3A_641 = arith.select %ge3A_3, %min3A_640, %get3A_634 : vector<16xi32>
    %add3A_642 = vector.broadcast %add3A : i32 to vector<16xi32>
    %add3A_643 = arith.addi %select_n3A_641, %add3A_642 : vector<16xi32>
    %swap3A_644 = arith.constant 3 : i32
    %swap3A_645 = arith.index_cast %swap3A_644 : i32 to index
    %swap3A_646 = arith.constant 80 : index
    %swap3A_647 = tpu.vector_load %arg5[%swap3A_645, %swap3A_646] {strides = array<i32>} : memref<16x128xi32, #tpu.memory_space<vmem>>, vector<1x16xi32>,
    %swap3A_648 = vector.shape_cast %swap3A_647 : vector<1x16xi32> to vector<16xi32>
    %swap3A_649 = vector.shape_cast %add3A_643 : vector<16xi32> to vector<1x16xi32>
    tpu.vector_store %arg5[%swap3A_645, %swap3A_646], %swap3A_649 {strides = array<i32>} : memref<16x128xi32, #tpu.memory_space<vmem>>, vector<1x16xi32>,
    %get3A_650 = arith.constant 3 : i32
    %get3A_651 = arith.index_cast %get3A_650 : i32 to index
    %get3A_652 = arith.constant 96 : index
    %get3A_653 = tpu.vector_load %arg5[%get3A_651, %get3A_652] {strides = array<i32>} : memref<16x128xi32, #tpu.memory_space<vmem>>, vector<1x16xi32>,
    %get3A_654 = vector.shape_cast %get3A_653 : vector<1x16xi32> to vector<16xi32>
    %max3A_655 = arith.constant -1024 : i32
    %max3A_656 = vector.broadcast %max3A_655 : i32 to vector<16xi32>
    %max3A_657 = arith.maxsi %get3A_654, %max3A_656 : vector<16xi32>
    %min3A_658 = arith.constant 1024 : i32
    %min3A_659 = vector.broadcast %min3A_658 : i32 to vector<16xi32>
    %min3A_660 = arith.minsi %max3A_657, %min3A_659 : vector<16xi32>
    %select_n3A_661 = arith.select %ge3A_3, %min3A_660, %get3A_654 : vector<16xi32>
    %add3A_662 = vector.broadcast %add3A : i32 to vector<16xi32>
    %add3A_663 = arith.addi %select_n3A_661, %add3A_662 : vector<16xi32>
    %swap3A_664 = arith.constant 3 : i32
    %swap3A_665 = arith.index_cast %swap3A_664 : i32 to index
    %swap3A_666 = arith.constant 96 : index
    %swap3A_667 = tpu.vector_load %arg5[%swap3A_665, %swap3A_666] {strides = array<i32>} : memref<16x128xi32, #tpu.memory_space<vmem>>, vector<1x16xi32>,
    %swap3A_668 = vector.shape_cast %swap3A_667 : vector<1x16xi32> to vector<16xi32>
    %swap3A_669 = vector.shape_cast %add3A_663 : vector<16xi32> to vector<1x16xi32>
    tpu.vector_store %arg5[%swap3A_665, %swap3A_666], %swap3A_669 {strides = array<i32>} : memref<16x128xi32, #tpu.memory_space<vmem>>, vector<1x16xi32>,
    %get3A_670 = arith.constant 3 : i32
    %get3A_671 = arith.index_cast %get3A_670 : i32 to index
    %get3A_672 = arith.constant 112 : index
    %get3A_673 = tpu.vector_load %arg5[%get3A_671, %get3A_672] {strides = array<i32>} : memref<16x128xi32, #tpu.memory_space<vmem>>, vector<1x16xi32>,
    %get3A_674 = vector.shape_cast %get3A_673 : vector<1x16xi32> to vector<16xi32>
    %max3A_675 = arith.constant -1024 : i32
    %max3A_676 = vector.broadcast %max3A_675 : i32 to vector<16xi32>
    %max3A_677 = arith.maxsi %get3A_674, %max3A_676 : vector<16xi32>
    %min3A_678 = arith.constant 1024 : i32
    %min3A_679 = vector.broadcast %min3A_678 : i32 to vector<16xi32>
    %min3A_680 = arith.minsi %max3A_677, %min3A_679 : vector<16xi32>
    %select_n3A_681 = arith.select %ge3A_3, %min3A_680, %get3A_674 : vector<16xi32>
    %add3A_682 = vector.broadcast %add3A : i32 to vector<16xi32>
    %add3A_683 = arith.addi %select_n3A_681, %add3A_682 : vector<16xi32>
    %swap3A_684 = arith.constant 3 : i32
    %swap3A_685 = arith.index_cast %swap3A_684 : i32 to index
    %swap3A_686 = arith.constant 112 : index
    %swap3A_687 = tpu.vector_load %arg5[%swap3A_685, %swap3A_686] {strides = array<i32>} : memref<16x128xi32, #tpu.memory_space<vmem>>, vector<1x16xi32>,
    %swap3A_688 = vector.shape_cast %swap3A_687 : vector<1x16xi32> to vector<16xi32>
    %swap3A_689 = vector.shape_cast %add3A_683 : vector<16xi32> to vector<1x16xi32>
    tpu.vector_store %arg5[%swap3A_685, %swap3A_686], %swap3A_689 {strides = array<i32>} : memref<16x128xi32, #tpu.memory_space<vmem>>, vector<1x16xi32>,
    %dma_start3A_690 = arith.constant 3 : i32
    %dma_start3A_691 = arith.constant 3 : i32
    %dma_start3A_692 = arith.constant 3 : i32
    %dma_start3A_693 = arith.constant 0 : i32
    %dma_start3A_694 = arith.constant 0 : i32
    %dma_start3A_695 = tpu.memref_slice %arg6[%dma_start3A_691, %dma_start3A_693, %dma_start3A_694] : memref<6x128x128xf32, #tpu.memory_space<vmem>> -> memref<1x128x128xf32, #tpu.memory_space<vmem>>
    %dma_start3A_696 = tpu.memref_squeeze %dma_start3A_695 : memref<1x128x128xf32, #tpu.memory_space<vmem>> -> memref<128x128xf32, #tpu.memory_space<vmem>>
    %dma_start3A_697 = arith.constant 0 : i32
    %dma_start3A_698 = tpu.memref_slice %arg5[%dma_start3A_690, %dma_start3A_697] : memref<16x128xi32, #tpu.memory_space<vmem>> -> memref<1x128xi32, #tpu.memory_space<vmem>>
    %dma_start3A_699 = tpu.memref_squeeze %dma_start3A_698 : memref<1x128xi32, #tpu.memory_space<vmem>> -> memref<128xi32, #tpu.memory_space<vmem>>
    %dma_start3A_700 = arith.constant 0 : i32
    %dma_start3A_701 = arith.constant 0 : i32
    %dma_start3A_702 = tpu.memref_slice %arg3[%dma_start3A_700, %dma_start3A_701] : memref<10256x128xf32, #tpu.memory_space<hbm>> -> memref<10256x128xf32, #tpu.memory_space<hbm>>
    %dma_start3A_703 = tpu.memref_slice %arg7[%dma_start3A_692] : memref<6x!tpu.dma_semaphore, #tpu.memory_space<semaphore_mem>> -> memref<1x!tpu.dma_semaphore, #tpu.memory_space<semaphore_mem>>
    %dma_start3A_704 = tpu.memref_squeeze %dma_start3A_703 : memref<1x!tpu.dma_semaphore, #tpu.memory_space<semaphore_mem>> -> memref<!tpu.dma_semaphore, #tpu.memory_space<semaphore_mem>>
    tpu.enqueue_indirect_dma source(%dma_start3A_702 : memref<10256x128xf32, #tpu.memory_space<hbm>>) target(%dma_start3A_696 : memref<128x128xf32, #tpu.memory_space<vmem>>) offsets(%dma_start3A_699 : memref<128xi32, #tpu.memory_space<vmem>>) semaphore(%dma_start3A_704 : memref<!tpu.dma_semaphore, #tpu.memory_space<semaphore_mem>>)
    %get3A_705 = arith.constant 4 : i32
    %get3A_706 = arith.index_cast %get3A_705 : i32 to index
    %get3A_707 = arith.constant 0 : index
    %get3A_708 = tpu.vector_load %arg5[%get3A_706, %get3A_707] {strides = array<i32>} : memref<16x128xi32, #tpu.memory_space<vmem>>, vector<1x16xi32>,
    %get3A_709 = vector.shape_cast %get3A_708 : vector<1x16xi32> to vector<16xi32>
    %max3A_710 = arith.constant -1024 : i32
    %max3A_711 = vector.broadcast %max3A_710 : i32 to vector<16xi32>
    %max3A_712 = arith.maxsi %get3A_709, %max3A_711 : vector<16xi32>
    %min3A_713 = arith.constant 1024 : i32
    %min3A_714 = vector.broadcast %min3A_713 : i32 to vector<16xi32>
    %min3A_715 = arith.minsi %max3A_712, %min3A_714 : vector<16xi32>
    %select_n3A_716 = arith.select %ge3A_3, %min3A_715, %get3A_709 : vector<16xi32>
    %add3A_717 = vector.broadcast %add3A : i32 to vector<16xi32>
    %add3A_718 = arith.addi %select_n3A_716, %add3A_717 : vector<16xi32>
    %swap3A_719 = arith.constant 4 : i32
    %swap3A_720 = arith.index_cast %swap3A_719 : i32 to index
    %swap3A_721 = arith.constant 0 : index
    %swap3A_722 = tpu.vector_load %arg5[%swap3A_720, %swap3A_721] {strides = array<i32>} : memref<16x128xi32, #tpu.memory_space<vmem>>, vector<1x16xi32>,
    %swap3A_723 = vector.shape_cast %swap3A_722 : vector<1x16xi32> to vector<16xi32>
    %swap3A_724 = vector.shape_cast %add3A_718 : vector<16xi32> to vector<1x16xi32>
    tpu.vector_store %arg5[%swap3A_720, %swap3A_721], %swap3A_724 {strides = array<i32>} : memref<16x128xi32, #tpu.memory_space<vmem>>, vector<1x16xi32>,
    %get3A_725 = arith.constant 4 : i32
    %get3A_726 = arith.index_cast %get3A_725 : i32 to index
    %get3A_727 = arith.constant 16 : index
    %get3A_728 = tpu.vector_load %arg5[%get3A_726, %get3A_727] {strides = array<i32>} : memref<16x128xi32, #tpu.memory_space<vmem>>, vector<1x16xi32>,
    %get3A_729 = vector.shape_cast %get3A_728 : vector<1x16xi32> to vector<16xi32>
    %max3A_730 = arith.constant -1024 : i32
    %max3A_731 = vector.broadcast %max3A_730 : i32 to vector<16xi32>
    %max3A_732 = arith.maxsi %get3A_729, %max3A_731 : vector<16xi32>
    %min3A_733 = arith.constant 1024 : i32
    %min3A_734 = vector.broadcast %min3A_733 : i32 to vector<16xi32>
    %min3A_735 = arith.minsi %max3A_732, %min3A_734 : vector<16xi32>
    %select_n3A_736 = arith.select %ge3A_3, %min3A_735, %get3A_729 : vector<16xi32>
    %add3A_737 = vector.broadcast %add3A : i32 to vector<16xi32>
    %add3A_738 = arith.addi %select_n3A_736, %add3A_737 : vector<16xi32>
    %swap3A_739 = arith.constant 4 : i32
    %swap3A_740 = arith.index_cast %swap3A_739 : i32 to index
    %swap3A_741 = arith.constant 16 : index
    %swap3A_742 = tpu.vector_load %arg5[%swap3A_740, %swap3A_741] {strides = array<i32>} : memref<16x128xi32, #tpu.memory_space<vmem>>, vector<1x16xi32>,
    %swap3A_743 = vector.shape_cast %swap3A_742 : vector<1x16xi32> to vector<16xi32>
    %swap3A_744 = vector.shape_cast %add3A_738 : vector<16xi32> to vector<1x16xi32>
    tpu.vector_store %arg5[%swap3A_740, %swap3A_741], %swap3A_744 {strides = array<i32>} : memref<16x128xi32, #tpu.memory_space<vmem>>, vector<1x16xi32>,
    %get3A_745 = arith.constant 4 : i32
    %get3A_746 = arith.index_cast %get3A_745 : i32 to index
    %get3A_747 = arith.constant 32 : index
    %get3A_748 = tpu.vector_load %arg5[%get3A_746, %get3A_747] {strides = array<i32>} : memref<16x128xi32, #tpu.memory_space<vmem>>, vector<1x16xi32>,
    %get3A_749 = vector.shape_cast %get3A_748 : vector<1x16xi32> to vector<16xi32>
    %max3A_750 = arith.constant -1024 : i32
    %max3A_751 = vector.broadcast %max3A_750 : i32 to vector<16xi32>
    %max3A_752 = arith.maxsi %get3A_749, %max3A_751 : vector<16xi32>
    %min3A_753 = arith.constant 1024 : i32
    %min3A_754 = vector.broadcast %min3A_753 : i32 to vector<16xi32>
    %min3A_755 = arith.minsi %max3A_752, %min3A_754 : vector<16xi32>
    %select_n3A_756 = arith.select %ge3A_3, %min3A_755, %get3A_749 : vector<16xi32>
    %add3A_757 = vector.broadcast %add3A : i32 to vector<16xi32>
    %add3A_758 = arith.addi %select_n3A_756, %add3A_757 : vector<16xi32>
    %swap3A_759 = arith.constant 4 : i32
    %swap3A_760 = arith.index_cast %swap3A_759 : i32 to index
    %swap3A_761 = arith.constant 32 : index
    %swap3A_762 = tpu.vector_load %arg5[%swap3A_760, %swap3A_761] {strides = array<i32>} : memref<16x128xi32, #tpu.memory_space<vmem>>, vector<1x16xi32>,
    %swap3A_763 = vector.shape_cast %swap3A_762 : vector<1x16xi32> to vector<16xi32>
    %swap3A_764 = vector.shape_cast %add3A_758 : vector<16xi32> to vector<1x16xi32>
    tpu.vector_store %arg5[%swap3A_760, %swap3A_761], %swap3A_764 {strides = array<i32>} : memref<16x128xi32, #tpu.memory_space<vmem>>, vector<1x16xi32>,
    %get3A_765 = arith.constant 4 : i32
    %get3A_766 = arith.index_cast %get3A_765 : i32 to index
    %get3A_767 = arith.constant 48 : index
    %get3A_768 = tpu.vector_load %arg5[%get3A_766, %get3A_767] {strides = array<i32>} : memref<16x128xi32, #tpu.memory_space<vmem>>, vector<1x16xi32>,
    %get3A_769 = vector.shape_cast %get3A_768 : vector<1x16xi32> to vector<16xi32>
    %max3A_770 = arith.constant -1024 : i32
    %max3A_771 = vector.broadcast %max3A_770 : i32 to vector<16xi32>
    %max3A_772 = arith.maxsi %get3A_769, %max3A_771 : vector<16xi32>
    %min3A_773 = arith.constant 1024 : i32
    %min3A_774 = vector.broadcast %min3A_773 : i32 to vector<16xi32>
    %min3A_775 = arith.minsi %max3A_772, %min3A_774 : vector<16xi32>
    %select_n3A_776 = arith.select %ge3A_3, %min3A_775, %get3A_769 : vector<16xi32>
    %add3A_777 = vector.broadcast %add3A : i32 to vector<16xi32>
    %add3A_778 = arith.addi %select_n3A_776, %add3A_777 : vector<16xi32>
    %swap3A_779 = arith.constant 4 : i32
    %swap3A_780 = arith.index_cast %swap3A_779 : i32 to index
    %swap3A_781 = arith.constant 48 : index
    %swap3A_782 = tpu.vector_load %arg5[%swap3A_780, %swap3A_781] {strides = array<i32>} : memref<16x128xi32, #tpu.memory_space<vmem>>, vector<1x16xi32>,
    %swap3A_783 = vector.shape_cast %swap3A_782 : vector<1x16xi32> to vector<16xi32>
    %swap3A_784 = vector.shape_cast %add3A_778 : vector<16xi32> to vector<1x16xi32>
    tpu.vector_store %arg5[%swap3A_780, %swap3A_781], %swap3A_784 {strides = array<i32>} : memref<16x128xi32, #tpu.memory_space<vmem>>, vector<1x16xi32>,
    %get3A_785 = arith.constant 4 : i32
    %get3A_786 = arith.index_cast %get3A_785 : i32 to index
    %get3A_787 = arith.constant 64 : index
    %get3A_788 = tpu.vector_load %arg5[%get3A_786, %get3A_787] {strides = array<i32>} : memref<16x128xi32, #tpu.memory_space<vmem>>, vector<1x16xi32>,
    %get3A_789 = vector.shape_cast %get3A_788 : vector<1x16xi32> to vector<16xi32>
    %max3A_790 = arith.constant -1024 : i32
    %max3A_791 = vector.broadcast %max3A_790 : i32 to vector<16xi32>
    %max3A_792 = arith.maxsi %get3A_789, %max3A_791 : vector<16xi32>
    %min3A_793 = arith.constant 1024 : i32
    %min3A_794 = vector.broadcast %min3A_793 : i32 to vector<16xi32>
    %min3A_795 = arith.minsi %max3A_792, %min3A_794 : vector<16xi32>
    %select_n3A_796 = arith.select %ge3A_3, %min3A_795, %get3A_789 : vector<16xi32>
    %add3A_797 = vector.broadcast %add3A : i32 to vector<16xi32>
    %add3A_798 = arith.addi %select_n3A_796, %add3A_797 : vector<16xi32>
    %swap3A_799 = arith.constant 4 : i32
    %swap3A_800 = arith.index_cast %swap3A_799 : i32 to index
    %swap3A_801 = arith.constant 64 : index
    %swap3A_802 = tpu.vector_load %arg5[%swap3A_800, %swap3A_801] {strides = array<i32>} : memref<16x128xi32, #tpu.memory_space<vmem>>, vector<1x16xi32>,
    %swap3A_803 = vector.shape_cast %swap3A_802 : vector<1x16xi32> to vector<16xi32>
    %swap3A_804 = vector.shape_cast %add3A_798 : vector<16xi32> to vector<1x16xi32>
    tpu.vector_store %arg5[%swap3A_800, %swap3A_801], %swap3A_804 {strides = array<i32>} : memref<16x128xi32, #tpu.memory_space<vmem>>, vector<1x16xi32>,
    %get3A_805 = arith.constant 4 : i32
    %get3A_806 = arith.index_cast %get3A_805 : i32 to index
    %get3A_807 = arith.constant 80 : index
    %get3A_808 = tpu.vector_load %arg5[%get3A_806, %get3A_807] {strides = array<i32>} : memref<16x128xi32, #tpu.memory_space<vmem>>, vector<1x16xi32>,
    %get3A_809 = vector.shape_cast %get3A_808 : vector<1x16xi32> to vector<16xi32>
    %max3A_810 = arith.constant -1024 : i32
    %max3A_811 = vector.broadcast %max3A_810 : i32 to vector<16xi32>
    %max3A_812 = arith.maxsi %get3A_809, %max3A_811 : vector<16xi32>
    %min3A_813 = arith.constant 1024 : i32
    %min3A_814 = vector.broadcast %min3A_813 : i32 to vector<16xi32>
    %min3A_815 = arith.minsi %max3A_812, %min3A_814 : vector<16xi32>
    %select_n3A_816 = arith.select %ge3A_3, %min3A_815, %get3A_809 : vector<16xi32>
    %add3A_817 = vector.broadcast %add3A : i32 to vector<16xi32>
    %add3A_818 = arith.addi %select_n3A_816, %add3A_817 : vector<16xi32>
    %swap3A_819 = arith.constant 4 : i32
    %swap3A_820 = arith.index_cast %swap3A_819 : i32 to index
    %swap3A_821 = arith.constant 80 : index
    %swap3A_822 = tpu.vector_load %arg5[%swap3A_820, %swap3A_821] {strides = array<i32>} : memref<16x128xi32, #tpu.memory_space<vmem>>, vector<1x16xi32>,
    %swap3A_823 = vector.shape_cast %swap3A_822 : vector<1x16xi32> to vector<16xi32>
    %swap3A_824 = vector.shape_cast %add3A_818 : vector<16xi32> to vector<1x16xi32>
    tpu.vector_store %arg5[%swap3A_820, %swap3A_821], %swap3A_824 {strides = array<i32>} : memref<16x128xi32, #tpu.memory_space<vmem>>, vector<1x16xi32>,
    %get3A_825 = arith.constant 4 : i32
    %get3A_826 = arith.index_cast %get3A_825 : i32 to index
    %get3A_827 = arith.constant 96 : index
    %get3A_828 = tpu.vector_load %arg5[%get3A_826, %get3A_827] {strides = array<i32>} : memref<16x128xi32, #tpu.memory_space<vmem>>, vector<1x16xi32>,
    %get3A_829 = vector.shape_cast %get3A_828 : vector<1x16xi32> to vector<16xi32>
    %max3A_830 = arith.constant -1024 : i32
    %max3A_831 = vector.broadcast %max3A_830 : i32 to vector<16xi32>
    %max3A_832 = arith.maxsi %get3A_829, %max3A_831 : vector<16xi32>
    %min3A_833 = arith.constant 1024 : i32
    %min3A_834 = vector.broadcast %min3A_833 : i32 to vector<16xi32>
    %min3A_835 = arith.minsi %max3A_832, %min3A_834 : vector<16xi32>
    %select_n3A_836 = arith.select %ge3A_3, %min3A_835, %get3A_829 : vector<16xi32>
    %add3A_837 = vector.broadcast %add3A : i32 to vector<16xi32>
    %add3A_838 = arith.addi %select_n3A_836, %add3A_837 : vector<16xi32>
    %swap3A_839 = arith.constant 4 : i32
    %swap3A_840 = arith.index_cast %swap3A_839 : i32 to index
    %swap3A_841 = arith.constant 96 : index
    %swap3A_842 = tpu.vector_load %arg5[%swap3A_840, %swap3A_841] {strides = array<i32>} : memref<16x128xi32, #tpu.memory_space<vmem>>, vector<1x16xi32>,
    %swap3A_843 = vector.shape_cast %swap3A_842 : vector<1x16xi32> to vector<16xi32>
    %swap3A_844 = vector.shape_cast %add3A_838 : vector<16xi32> to vector<1x16xi32>
    tpu.vector_store %arg5[%swap3A_840, %swap3A_841], %swap3A_844 {strides = array<i32>} : memref<16x128xi32, #tpu.memory_space<vmem>>, vector<1x16xi32>,
    %get3A_845 = arith.constant 4 : i32
    %get3A_846 = arith.index_cast %get3A_845 : i32 to index
    %get3A_847 = arith.constant 112 : index
    %get3A_848 = tpu.vector_load %arg5[%get3A_846, %get3A_847] {strides = array<i32>} : memref<16x128xi32, #tpu.memory_space<vmem>>, vector<1x16xi32>,
    %get3A_849 = vector.shape_cast %get3A_848 : vector<1x16xi32> to vector<16xi32>
    %max3A_850 = arith.constant -1024 : i32
    %max3A_851 = vector.broadcast %max3A_850 : i32 to vector<16xi32>
    %max3A_852 = arith.maxsi %get3A_849, %max3A_851 : vector<16xi32>
    %min3A_853 = arith.constant 1024 : i32
    %min3A_854 = vector.broadcast %min3A_853 : i32 to vector<16xi32>
    %min3A_855 = arith.minsi %max3A_852, %min3A_854 : vector<16xi32>
    %select_n3A_856 = arith.select %ge3A_3, %min3A_855, %get3A_849 : vector<16xi32>
    %add3A_857 = vector.broadcast %add3A : i32 to vector<16xi32>
    %add3A_858 = arith.addi %select_n3A_856, %add3A_857 : vector<16xi32>
    %swap3A_859 = arith.constant 4 : i32
    %swap3A_860 = arith.index_cast %swap3A_859 : i32 to index
    %swap3A_861 = arith.constant 112 : index
    %swap3A_862 = tpu.vector_load %arg5[%swap3A_860, %swap3A_861] {strides = array<i32>} : memref<16x128xi32, #tpu.memory_space<vmem>>, vector<1x16xi32>,
    %swap3A_863 = vector.shape_cast %swap3A_862 : vector<1x16xi32> to vector<16xi32>
    %swap3A_864 = vector.shape_cast %add3A_858 : vector<16xi32> to vector<1x16xi32>
    tpu.vector_store %arg5[%swap3A_860, %swap3A_861], %swap3A_864 {strides = array<i32>} : memref<16x128xi32, #tpu.memory_space<vmem>>, vector<1x16xi32>,
    %dma_start3A_865 = arith.constant 4 : i32
    %dma_start3A_866 = arith.constant 4 : i32
    %dma_start3A_867 = arith.constant 4 : i32
    %dma_start3A_868 = arith.constant 0 : i32
    %dma_start3A_869 = arith.constant 0 : i32
    %dma_start3A_870 = tpu.memref_slice %arg6[%dma_start3A_866, %dma_start3A_868, %dma_start3A_869] : memref<6x128x128xf32, #tpu.memory_space<vmem>> -> memref<1x128x128xf32, #tpu.memory_space<vmem>>
    %dma_start3A_871 = tpu.memref_squeeze %dma_start3A_870 : memref<1x128x128xf32, #tpu.memory_space<vmem>> -> memref<128x128xf32, #tpu.memory_space<vmem>>
    %dma_start3A_872 = arith.constant 0 : i32
    %dma_start3A_873 = tpu.memref_slice %arg5[%dma_start3A_865, %dma_start3A_872] : memref<16x128xi32, #tpu.memory_space<vmem>> -> memref<1x128xi32, #tpu.memory_space<vmem>>
    %dma_start3A_874 = tpu.memref_squeeze %dma_start3A_873 : memref<1x128xi32, #tpu.memory_space<vmem>> -> memref<128xi32, #tpu.memory_space<vmem>>
    %dma_start3A_875 = arith.constant 0 : i32
    %dma_start3A_876 = arith.constant 0 : i32
    %dma_start3A_877 = tpu.memref_slice %arg3[%dma_start3A_875, %dma_start3A_876] : memref<10256x128xf32, #tpu.memory_space<hbm>> -> memref<10256x128xf32, #tpu.memory_space<hbm>>
    %dma_start3A_878 = tpu.memref_slice %arg7[%dma_start3A_867] : memref<6x!tpu.dma_semaphore, #tpu.memory_space<semaphore_mem>> -> memref<1x!tpu.dma_semaphore, #tpu.memory_space<semaphore_mem>>
    %dma_start3A_879 = tpu.memref_squeeze %dma_start3A_878 : memref<1x!tpu.dma_semaphore, #tpu.memory_space<semaphore_mem>> -> memref<!tpu.dma_semaphore, #tpu.memory_space<semaphore_mem>>
    tpu.enqueue_indirect_dma source(%dma_start3A_877 : memref<10256x128xf32, #tpu.memory_space<hbm>>) target(%dma_start3A_871 : memref<128x128xf32, #tpu.memory_space<vmem>>) offsets(%dma_start3A_874 : memref<128xi32, #tpu.memory_space<vmem>>) semaphore(%dma_start3A_879 : memref<!tpu.dma_semaphore, #tpu.memory_space<semaphore_mem>>)
    %get3A_880 = arith.constant 5 : i32
    %get3A_881 = arith.index_cast %get3A_880 : i32 to index
    %get3A_882 = arith.constant 0 : index
    %get3A_883 = tpu.vector_load %arg5[%get3A_881, %get3A_882] {strides = array<i32>} : memref<16x128xi32, #tpu.memory_space<vmem>>, vector<1x16xi32>,
    %get3A_884 = vector.shape_cast %get3A_883 : vector<1x16xi32> to vector<16xi32>
    %max3A_885 = arith.constant -1024 : i32
    %max3A_886 = vector.broadcast %max3A_885 : i32 to vector<16xi32>
    %max3A_887 = arith.maxsi %get3A_884, %max3A_886 : vector<16xi32>
    %min3A_888 = arith.constant 1024 : i32
    %min3A_889 = vector.broadcast %min3A_888 : i32 to vector<16xi32>
    %min3A_890 = arith.minsi %max3A_887, %min3A_889 : vector<16xi32>
    %select_n3A_891 = arith.select %ge3A_3, %min3A_890, %get3A_884 : vector<16xi32>
    %add3A_892 = vector.broadcast %add3A : i32 to vector<16xi32>
    %add3A_893 = arith.addi %select_n3A_891, %add3A_892 : vector<16xi32>
    %swap3A_894 = arith.constant 5 : i32
    %swap3A_895 = arith.index_cast %swap3A_894 : i32 to index
    %swap3A_896 = arith.constant 0 : index
    %swap3A_897 = tpu.vector_load %arg5[%swap3A_895, %swap3A_896] {strides = array<i32>} : memref<16x128xi32, #tpu.memory_space<vmem>>, vector<1x16xi32>,
    %swap3A_898 = vector.shape_cast %swap3A_897 : vector<1x16xi32> to vector<16xi32>
    %swap3A_899 = vector.shape_cast %add3A_893 : vector<16xi32> to vector<1x16xi32>
    tpu.vector_store %arg5[%swap3A_895, %swap3A_896], %swap3A_899 {strides = array<i32>} : memref<16x128xi32, #tpu.memory_space<vmem>>, vector<1x16xi32>,
    %get3A_900 = arith.constant 5 : i32
    %get3A_901 = arith.index_cast %get3A_900 : i32 to index
    %get3A_902 = arith.constant 16 : index
    %get3A_903 = tpu.vector_load %arg5[%get3A_901, %get3A_902] {strides = array<i32>} : memref<16x128xi32, #tpu.memory_space<vmem>>, vector<1x16xi32>,
    %get3A_904 = vector.shape_cast %get3A_903 : vector<1x16xi32> to vector<16xi32>
    %max3A_905 = arith.constant -1024 : i32
    %max3A_906 = vector.broadcast %max3A_905 : i32 to vector<16xi32>
    %max3A_907 = arith.maxsi %get3A_904, %max3A_906 : vector<16xi32>
    %min3A_908 = arith.constant 1024 : i32
    %min3A_909 = vector.broadcast %min3A_908 : i32 to vector<16xi32>
    %min3A_910 = arith.minsi %max3A_907, %min3A_909 : vector<16xi32>
    %select_n3A_911 = arith.select %ge3A_3, %min3A_910, %get3A_904 : vector<16xi32>
    %add3A_912 = vector.broadcast %add3A : i32 to vector<16xi32>
    %add3A_913 = arith.addi %select_n3A_911, %add3A_912 : vector<16xi32>
    %swap3A_914 = arith.constant 5 : i32
    %swap3A_915 = arith.index_cast %swap3A_914 : i32 to index
    %swap3A_916 = arith.constant 16 : index
    %swap3A_917 = tpu.vector_load %arg5[%swap3A_915, %swap3A_916] {strides = array<i32>} : memref<16x128xi32, #tpu.memory_space<vmem>>, vector<1x16xi32>,
    %swap3A_918 = vector.shape_cast %swap3A_917 : vector<1x16xi32> to vector<16xi32>
    %swap3A_919 = vector.shape_cast %add3A_913 : vector<16xi32> to vector<1x16xi32>
    tpu.vector_store %arg5[%swap3A_915, %swap3A_916], %swap3A_919 {strides = array<i32>} : memref<16x128xi32, #tpu.memory_space<vmem>>, vector<1x16xi32>,
    %get3A_920 = arith.constant 5 : i32
    %get3A_921 = arith.index_cast %get3A_920 : i32 to index
    %get3A_922 = arith.constant 32 : index
    %get3A_923 = tpu.vector_load %arg5[%get3A_921, %get3A_922] {strides = array<i32>} : memref<16x128xi32, #tpu.memory_space<vmem>>, vector<1x16xi32>,
    %get3A_924 = vector.shape_cast %get3A_923 : vector<1x16xi32> to vector<16xi32>
    %max3A_925 = arith.constant -1024 : i32
    %max3A_926 = vector.broadcast %max3A_925 : i32 to vector<16xi32>
    %max3A_927 = arith.maxsi %get3A_924, %max3A_926 : vector<16xi32>
    %min3A_928 = arith.constant 1024 : i32
    %min3A_929 = vector.broadcast %min3A_928 : i32 to vector<16xi32>
    %min3A_930 = arith.minsi %max3A_927, %min3A_929 : vector<16xi32>
    %select_n3A_931 = arith.select %ge3A_3, %min3A_930, %get3A_924 : vector<16xi32>
    %add3A_932 = vector.broadcast %add3A : i32 to vector<16xi32>
    %add3A_933 = arith.addi %select_n3A_931, %add3A_932 : vector<16xi32>
    %swap3A_934 = arith.constant 5 : i32
    %swap3A_935 = arith.index_cast %swap3A_934 : i32 to index
    %swap3A_936 = arith.constant 32 : index
    %swap3A_937 = tpu.vector_load %arg5[%swap3A_935, %swap3A_936] {strides = array<i32>} : memref<16x128xi32, #tpu.memory_space<vmem>>, vector<1x16xi32>,
    %swap3A_938 = vector.shape_cast %swap3A_937 : vector<1x16xi32> to vector<16xi32>
    %swap3A_939 = vector.shape_cast %add3A_933 : vector<16xi32> to vector<1x16xi32>
    tpu.vector_store %arg5[%swap3A_935, %swap3A_936], %swap3A_939 {strides = array<i32>} : memref<16x128xi32, #tpu.memory_space<vmem>>, vector<1x16xi32>,
    %get3A_940 = arith.constant 5 : i32
    %get3A_941 = arith.index_cast %get3A_940 : i32 to index
    %get3A_942 = arith.constant 48 : index
    %get3A_943 = tpu.vector_load %arg5[%get3A_941, %get3A_942] {strides = array<i32>} : memref<16x128xi32, #tpu.memory_space<vmem>>, vector<1x16xi32>,
    %get3A_944 = vector.shape_cast %get3A_943 : vector<1x16xi32> to vector<16xi32>
    %max3A_945 = arith.constant -1024 : i32
    %max3A_946 = vector.broadcast %max3A_945 : i32 to vector<16xi32>
    %max3A_947 = arith.maxsi %get3A_944, %max3A_946 : vector<16xi32>
    %min3A_948 = arith.constant 1024 : i32
    %min3A_949 = vector.broadcast %min3A_948 : i32 to vector<16xi32>
    %min3A_950 = arith.minsi %max3A_947, %min3A_949 : vector<16xi32>
    %select_n3A_951 = arith.select %ge3A_3, %min3A_950, %get3A_944 : vector<16xi32>
    %add3A_952 = vector.broadcast %add3A : i32 to vector<16xi32>
    %add3A_953 = arith.addi %select_n3A_951, %add3A_952 : vector<16xi32>
    %swap3A_954 = arith.constant 5 : i32
    %swap3A_955 = arith.index_cast %swap3A_954 : i32 to index
    %swap3A_956 = arith.constant 48 : index
    %swap3A_957 = tpu.vector_load %arg5[%swap3A_955, %swap3A_956] {strides = array<i32>} : memref<16x128xi32, #tpu.memory_space<vmem>>, vector<1x16xi32>,
    %swap3A_958 = vector.shape_cast %swap3A_957 : vector<1x16xi32> to vector<16xi32>
    %swap3A_959 = vector.shape_cast %add3A_953 : vector<16xi32> to vector<1x16xi32>
    tpu.vector_store %arg5[%swap3A_955, %swap3A_956], %swap3A_959 {strides = array<i32>} : memref<16x128xi32, #tpu.memory_space<vmem>>, vector<1x16xi32>,
    %get3A_960 = arith.constant 5 : i32
    %get3A_961 = arith.index_cast %get3A_960 : i32 to index
    %get3A_962 = arith.constant 64 : index
    %get3A_963 = tpu.vector_load %arg5[%get3A_961, %get3A_962] {strides = array<i32>} : memref<16x128xi32, #tpu.memory_space<vmem>>, vector<1x16xi32>,
    %get3A_964 = vector.shape_cast %get3A_963 : vector<1x16xi32> to vector<16xi32>
    %max3A_965 = arith.constant -1024 : i32
    %max3A_966 = vector.broadcast %max3A_965 : i32 to vector<16xi32>
    %max3A_967 = arith.maxsi %get3A_964, %max3A_966 : vector<16xi32>
    %min3A_968 = arith.constant 1024 : i32
    %min3A_969 = vector.broadcast %min3A_968 : i32 to vector<16xi32>
    %min3A_970 = arith.minsi %max3A_967, %min3A_969 : vector<16xi32>
    %select_n3A_971 = arith.select %ge3A_3, %min3A_970, %get3A_964 : vector<16xi32>
    %add3A_972 = vector.broadcast %add3A : i32 to vector<16xi32>
    %add3A_973 = arith.addi %select_n3A_971, %add3A_972 : vector<16xi32>
    %swap3A_974 = arith.constant 5 : i32
    %swap3A_975 = arith.index_cast %swap3A_974 : i32 to index
    %swap3A_976 = arith.constant 64 : index
    %swap3A_977 = tpu.vector_load %arg5[%swap3A_975, %swap3A_976] {strides = array<i32>} : memref<16x128xi32, #tpu.memory_space<vmem>>, vector<1x16xi32>,
    %swap3A_978 = vector.shape_cast %swap3A_977 : vector<1x16xi32> to vector<16xi32>
    %swap3A_979 = vector.shape_cast %add3A_973 : vector<16xi32> to vector<1x16xi32>
    tpu.vector_store %arg5[%swap3A_975, %swap3A_976], %swap3A_979 {strides = array<i32>} : memref<16x128xi32, #tpu.memory_space<vmem>>, vector<1x16xi32>,
    %get3A_980 = arith.constant 5 : i32
    %get3A_981 = arith.index_cast %get3A_980 : i32 to index
    %get3A_982 = arith.constant 80 : index
    %get3A_983 = tpu.vector_load %arg5[%get3A_981, %get3A_982] {strides = array<i32>} : memref<16x128xi32, #tpu.memory_space<vmem>>, vector<1x16xi32>,
    %get3A_984 = vector.shape_cast %get3A_983 : vector<1x16xi32> to vector<16xi32>
    %max3A_985 = arith.constant -1024 : i32
    %max3A_986 = vector.broadcast %max3A_985 : i32 to vector<16xi32>
    %max3A_987 = arith.maxsi %get3A_984, %max3A_986 : vector<16xi32>
    %min3A_988 = arith.constant 1024 : i32
    %min3A_989 = vector.broadcast %min3A_988 : i32 to vector<16xi32>
    %min3A_990 = arith.minsi %max3A_987, %min3A_989 : vector<16xi32>
    %select_n3A_991 = arith.select %ge3A_3, %min3A_990, %get3A_984 : vector<16xi32>
    %add3A_992 = vector.broadcast %add3A : i32 to vector<16xi32>
    %add3A_993 = arith.addi %select_n3A_991, %add3A_992 : vector<16xi32>
    %swap3A_994 = arith.constant 5 : i32
    %swap3A_995 = arith.index_cast %swap3A_994 : i32 to index
    %swap3A_996 = arith.constant 80 : index
    %swap3A_997 = tpu.vector_load %arg5[%swap3A_995, %swap3A_996] {strides = array<i32>} : memref<16x128xi32, #tpu.memory_space<vmem>>, vector<1x16xi32>,
    %swap3A_998 = vector.shape_cast %swap3A_997 : vector<1x16xi32> to vector<16xi32>
    %swap3A_999 = vector.shape_cast %add3A_993 : vector<16xi32> to vector<1x16xi32>
    tpu.vector_store %arg5[%swap3A_995, %swap3A_996], %swap3A_999 {strides = array<i32>} : memref<16x128xi32, #tpu.memory_space<vmem>>, vector<1x16xi32>,
    %get3A_1000 = arith.constant 5 : i32
    %get3A_1001 = arith.index_cast %get3A_1000 : i32 to index
    %get3A_1002 = arith.constant 96 : index
    %get3A_1003 = tpu.vector_load %arg5[%get3A_1001, %get3A_1002] {strides = array<i32>} : memref<16x128xi32, #tpu.memory_space<vmem>>, vector<1x16xi32>,
    %get3A_1004 = vector.shape_cast %get3A_1003 : vector<1x16xi32> to vector<16xi32>
    %max3A_1005 = arith.constant -1024 : i32
    %max3A_1006 = vector.broadcast %max3A_1005 : i32 to vector<16xi32>
    %max3A_1007 = arith.maxsi %get3A_1004, %max3A_1006 : vector<16xi32>
    %min3A_1008 = arith.constant 1024 : i32
    %min3A_1009 = vector.broadcast %min3A_1008 : i32 to vector<16xi32>
    %min3A_1010 = arith.minsi %max3A_1007, %min3A_1009 : vector<16xi32>
    %select_n3A_1011 = arith.select %ge3A_3, %min3A_1010, %get3A_1004 : vector<16xi32>
    %add3A_1012 = vector.broadcast %add3A : i32 to vector<16xi32>
    %add3A_1013 = arith.addi %select_n3A_1011, %add3A_1012 : vector<16xi32>
    %swap3A_1014 = arith.constant 5 : i32
    %swap3A_1015 = arith.index_cast %swap3A_1014 : i32 to index
    %swap3A_1016 = arith.constant 96 : index
    %swap3A_1017 = tpu.vector_load %arg5[%swap3A_1015, %swap3A_1016] {strides = array<i32>} : memref<16x128xi32, #tpu.memory_space<vmem>>, vector<1x16xi32>,
    %swap3A_1018 = vector.shape_cast %swap3A_1017 : vector<1x16xi32> to vector<16xi32>
    %swap3A_1019 = vector.shape_cast %add3A_1013 : vector<16xi32> to vector<1x16xi32>
    tpu.vector_store %arg5[%swap3A_1015, %swap3A_1016], %swap3A_1019 {strides = array<i32>} : memref<16x128xi32, #tpu.memory_space<vmem>>, vector<1x16xi32>,
    %get3A_1020 = arith.constant 5 : i32
    %get3A_1021 = arith.index_cast %get3A_1020 : i32 to index
    %get3A_1022 = arith.constant 112 : index
    %get3A_1023 = tpu.vector_load %arg5[%get3A_1021, %get3A_1022] {strides = array<i32>} : memref<16x128xi32, #tpu.memory_space<vmem>>, vector<1x16xi32>,
    %get3A_1024 = vector.shape_cast %get3A_1023 : vector<1x16xi32> to vector<16xi32>
    %max3A_1025 = arith.constant -1024 : i32
    %max3A_1026 = vector.broadcast %max3A_1025 : i32 to vector<16xi32>
    %max3A_1027 = arith.maxsi %get3A_1024, %max3A_1026 : vector<16xi32>
    %min3A_1028 = arith.constant 1024 : i32
    %min3A_1029 = vector.broadcast %min3A_1028 : i32 to vector<16xi32>
    %min3A_1030 = arith.minsi %max3A_1027, %min3A_1029 : vector<16xi32>
    %select_n3A_1031 = arith.select %ge3A_3, %min3A_1030, %get3A_1024 : vector<16xi32>
    %add3A_1032 = vector.broadcast %add3A : i32 to vector<16xi32>
    %add3A_1033 = arith.addi %select_n3A_1031, %add3A_1032 : vector<16xi32>
    %swap3A_1034 = arith.constant 5 : i32
    %swap3A_1035 = arith.index_cast %swap3A_1034 : i32 to index
    %swap3A_1036 = arith.constant 112 : index
    %swap3A_1037 = tpu.vector_load %arg5[%swap3A_1035, %swap3A_1036] {strides = array<i32>} : memref<16x128xi32, #tpu.memory_space<vmem>>, vector<1x16xi32>,
    %swap3A_1038 = vector.shape_cast %swap3A_1037 : vector<1x16xi32> to vector<16xi32>
    %swap3A_1039 = vector.shape_cast %add3A_1033 : vector<16xi32> to vector<1x16xi32>
    tpu.vector_store %arg5[%swap3A_1035, %swap3A_1036], %swap3A_1039 {strides = array<i32>} : memref<16x128xi32, #tpu.memory_space<vmem>>, vector<1x16xi32>,
    %dma_start3A_1040 = arith.constant 5 : i32
    %dma_start3A_1041 = arith.constant 5 : i32
    %dma_start3A_1042 = arith.constant 5 : i32
    %dma_start3A_1043 = arith.constant 0 : i32
    %dma_start3A_1044 = arith.constant 0 : i32
    %dma_start3A_1045 = tpu.memref_slice %arg6[%dma_start3A_1041, %dma_start3A_1043, %dma_start3A_1044] : memref<6x128x128xf32, #tpu.memory_space<vmem>> -> memref<1x128x128xf32, #tpu.memory_space<vmem>>
    %dma_start3A_1046 = tpu.memref_squeeze %dma_start3A_1045 : memref<1x128x128xf32, #tpu.memory_space<vmem>> -> memref<128x128xf32, #tpu.memory_space<vmem>>
    %dma_start3A_1047 = arith.constant 0 : i32
    %dma_start3A_1048 = tpu.memref_slice %arg5[%dma_start3A_1040, %dma_start3A_1047] : memref<16x128xi32, #tpu.memory_space<vmem>> -> memref<1x128xi32, #tpu.memory_space<vmem>>
    %dma_start3A_1049 = tpu.memref_squeeze %dma_start3A_1048 : memref<1x128xi32, #tpu.memory_space<vmem>> -> memref<128xi32, #tpu.memory_space<vmem>>
    %dma_start3A_1050 = arith.constant 0 : i32
    %dma_start3A_1051 = arith.constant 0 : i32
    %dma_start3A_1052 = tpu.memref_slice %arg3[%dma_start3A_1050, %dma_start3A_1051] : memref<10256x128xf32, #tpu.memory_space<hbm>> -> memref<10256x128xf32, #tpu.memory_space<hbm>>
    %dma_start3A_1053 = tpu.memref_slice %arg7[%dma_start3A_1042] : memref<6x!tpu.dma_semaphore, #tpu.memory_space<semaphore_mem>> -> memref<1x!tpu.dma_semaphore, #tpu.memory_space<semaphore_mem>>
    %dma_start3A_1054 = tpu.memref_squeeze %dma_start3A_1053 : memref<1x!tpu.dma_semaphore, #tpu.memory_space<semaphore_mem>> -> memref<!tpu.dma_semaphore, #tpu.memory_space<semaphore_mem>>
    tpu.enqueue_indirect_dma source(%dma_start3A_1052 : memref<10256x128xf32, #tpu.memory_space<hbm>>) target(%dma_start3A_1046 : memref<128x128xf32, #tpu.memory_space<vmem>>) offsets(%dma_start3A_1049 : memref<128xi32, #tpu.memory_space<vmem>>) semaphore(%dma_start3A_1054 : memref<!tpu.dma_semaphore, #tpu.memory_space<semaphore_mem>>)
    %mul3A_1055 = arith.constant 2048 : i32
    %mul3A_1056 = arith.muli %arg0, %mul3A_1055 : i32
    %scan3A = arith.constant 0 : i32
    %scan3A_1057 = arith.constant 0 : i32
    %scan3A_1058 = arith.constant 16 : i32
    %scan3A_1059 = arith.addi %scan3A_1057, %scan3A_1058 : i32
    %scan3A_1060 = arith.constant 1 : i32
    %scan3A_1061 = scf.for %scan3A_1063 = %scan3A_1057 to %scan3A_1059 step %scan3A_1060 iter_args(%scan3A_1064 = %scan3A) -> (i32)  : i32 {
      %jit3A_1065 = arith.constant 6 : i32
      %eq3A = arith.constant 0 : i32
      %eq3A_1066 = arith.cmpi eq, %jit3A_1065, %eq3A : i32
      %jit3A_1067 = arith.constant 1 : i32
      %select_n3A_1068 = arith.select %eq3A_1066, %jit3A_1067, %jit3A_1065 : i32
      %rem3A = arith.remsi %scan3A_1063, %select_n3A_1068 : i32
      %ne3A = arith.constant 0 : i32
      %ne3A_1069 = arith.cmpi ne, %rem3A, %ne3A : i32
      %lt3A = arith.constant 0 : i32
      %lt3A_1070 = arith.cmpi slt, %rem3A, %lt3A : i32
      %lt3A_1071 = arith.constant 0 : i32
      %lt3A_1072 = arith.cmpi slt, %select_n3A_1068, %lt3A_1071 : i32
      %ne3A_1073 = arith.xori %lt3A_1070, %lt3A_1072 : i1
      %and3A = arith.andi %ne3A_1073, %ne3A_1069 : i1
      %add3A_1074 = arith.addi %rem3A, %select_n3A_1068 : i32
      %select_n3A_1075 = arith.select %and3A, %add3A_1074, %rem3A : i32
      %dma_wait3A = arith.constant 0 : i32
      %dma_wait3A_1076 = arith.constant 0 : i32
      %dma_wait3A_1077 = tpu.memref_slice %arg6[%select_n3A_1075, %dma_wait3A, %dma_wait3A_1076] : memref<6x128x128xf32, #tpu.memory_space<vmem>> -> memref<1x128x128xf32, #tpu.memory_space<vmem>>
      %dma_wait3A_1078 = tpu.memref_squeeze %dma_wait3A_1077 : memref<1x128x128xf32, #tpu.memory_space<vmem>> -> memref<128x128xf32, #tpu.memory_space<vmem>>
      %dma_wait3A_1079 = arith.constant 0 : i32
      %dma_wait3A_1080 = tpu.memref_slice %arg5[%scan3A_1063, %dma_wait3A_1079] : memref<16x128xi32, #tpu.memory_space<vmem>> -> memref<1x128xi32, #tpu.memory_space<vmem>>
      %dma_wait3A_1081 = tpu.memref_squeeze %dma_wait3A_1080 : memref<1x128xi32, #tpu.memory_space<vmem>> -> memref<128xi32, #tpu.memory_space<vmem>>
      %dma_wait3A_1082 = arith.constant 0 : i32
      %dma_wait3A_1083 = arith.constant 0 : i32
      %dma_wait3A_1084 = tpu.memref_slice %arg3[%dma_wait3A_1082, %dma_wait3A_1083] : memref<10256x128xf32, #tpu.memory_space<hbm>> -> memref<10256x128xf32, #tpu.memory_space<hbm>>
      %dma_wait3A_1085 = tpu.memref_slice %arg7[%select_n3A_1075] : memref<6x!tpu.dma_semaphore, #tpu.memory_space<semaphore_mem>> -> memref<1x!tpu.dma_semaphore, #tpu.memory_space<semaphore_mem>>
      %dma_wait3A_1086 = tpu.memref_squeeze %dma_wait3A_1085 : memref<1x!tpu.dma_semaphore, #tpu.memory_space<semaphore_mem>> -> memref<!tpu.dma_semaphore, #tpu.memory_space<semaphore_mem>>
      tpu.wait_indirect_dma semaphore(%dma_wait3A_1086 : memref<!tpu.dma_semaphore, #tpu.memory_space<semaphore_mem>>) src(%dma_wait3A_1084 : memref<10256x128xf32, #tpu.memory_space<hbm>>) dst(%dma_wait3A_1078 : memref<128x128xf32, #tpu.memory_space<vmem>>)
      %mul3A_1087 = arith.constant 128 : i32
      %mul3A_1088 = arith.muli %scan3A_1063, %mul3A_1087 : i32
      %add3A_1089 = arith.addi %mul3A_1056, %mul3A_1088 : i32
      %mul3A_1090 = arith.constant 2 : i32
      %mul3A_1091 = arith.muli %arg1, %mul3A_1090 : i32
      %mul3A_1092 = arith.constant 64 : i32
      %mul3A_1093 = arith.muli %mul3A_1091, %mul3A_1092 : i32
      "tpu.region"() ({
        %run_scoped3A = tpu.sem_alloc : memref<!tpu.dma_semaphore, #tpu.memory_space<semaphore_mem>>
        %dma_start3A_1098 = arith.constant 0 : i32
        %dma_start3A_1099 = arith.constant 0 : i32
        %dma_start3A_1100 = tpu.memref_slice %arg6[%select_n3A_1075, %dma_start3A_1098, %dma_start3A_1099] : memref<6x128x128xf32, #tpu.memory_space<vmem>> -> memref<1x128x128xf32, #tpu.memory_space<vmem>>
        %dma_start3A_1101 = tpu.memref_squeeze %dma_start3A_1100 : memref<1x128x128xf32, #tpu.memory_space<vmem>> -> memref<128x128xf32, #tpu.memory_space<vmem>>
        %dma_start3A_1102 = tpu.memref_slice %arg4[%add3A_1089, %mul3A_1093] : memref<4096x2048xf32, #tpu.memory_space<hbm>> -> memref<128x128xf32, #tpu.memory_space<hbm>>
        %dma_start3A_1103 = tpu.memref_slice %arg4[%add3A_1089, %mul3A_1093] : memref<4096x2048xf32, #tpu.memory_space<hbm>> -> memref<128x128xf32, #tpu.memory_space<hbm>>
        %dma_start3A_1104 = arith.constant 0 : i32
        %dma_start3A_1105 = arith.constant 0 : i32
        %dma_start3A_1106 = tpu.memref_slice %arg6[%select_n3A_1075, %dma_start3A_1104, %dma_start3A_1105] : memref<6x128x128xf32, #tpu.memory_space<vmem>> -> memref<1x128x128xf32, #tpu.memory_space<vmem>>
        %dma_start3A_1107 = tpu.memref_squeeze %dma_start3A_1106 : memref<1x128x128xf32, #tpu.memory_space<vmem>> -> memref<128x128xf32, #tpu.memory_space<vmem>>
        tpu.enqueue_dma source(%dma_start3A_1107 : memref<128x128xf32, #tpu.memory_space<vmem>>) target(%dma_start3A_1103 : memref<128x128xf32, #tpu.memory_space<hbm>>) target_semaphore(%run_scoped3A : memref<!tpu.dma_semaphore, #tpu.memory_space<semaphore_mem>>)
        %dma_wait3A_1108 = arith.constant 0 : i32
        %dma_wait3A_1109 = arith.constant 0 : i32
        %dma_wait3A_1110 = tpu.memref_slice %arg6[%select_n3A_1075, %dma_wait3A_1108, %dma_wait3A_1109] : memref<6x128x128xf32, #tpu.memory_space<vmem>> -> memref<1x128x128xf32, #tpu.memory_space<vmem>>
        %dma_wait3A_1111 = tpu.memref_squeeze %dma_wait3A_1110 : memref<1x128x128xf32, #tpu.memory_space<vmem>> -> memref<128x128xf32, #tpu.memory_space<vmem>>
        %dma_wait3A_1112 = tpu.memref_slice %arg4[%add3A_1089, %mul3A_1093] : memref<4096x2048xf32, #tpu.memory_space<hbm>> -> memref<128x128xf32, #tpu.memory_space<hbm>>
        %dma_wait3A_1113 = tpu.memref_slice %arg4[%add3A_1089, %mul3A_1093] : memref<4096x2048xf32, #tpu.memory_space<hbm>> -> memref<128x128xf32, #tpu.memory_space<hbm>>
        %dma_wait3A_1114 = arith.constant 0 : i32
        %dma_wait3A_1115 = arith.constant 0 : i32
        %dma_wait3A_1116 = tpu.memref_slice %arg6[%select_n3A_1075, %dma_wait3A_1114, %dma_wait3A_1115] : memref<6x128x128xf32, #tpu.memory_space<vmem>> -> memref<1x128x128xf32, #tpu.memory_space<vmem>>
        %dma_wait3A_1117 = tpu.memref_squeeze %dma_wait3A_1116 : memref<1x128x128xf32, #tpu.memory_space<vmem>> -> memref<128x128xf32, #tpu.memory_space<vmem>>
        tpu.wait_dma2 semaphore(%run_scoped3A : memref<!tpu.dma_semaphore, #tpu.memory_space<semaphore_mem>>) src(%dma_wait3A_1117 : memref<128x128xf32, #tpu.memory_space<vmem>>) dst(%dma_wait3A_1113 : memref<128x128xf32, #tpu.memory_space<hbm>>)
        tpu.yield
      }) : () -> ()
      %lt3A_1094 = arith.constant 10 : i32
      %lt3A_1095 = arith.cmpi slt, %scan3A_1063, %lt3A_1094 : i32
      %convert_element_type3A = arith.extui %lt3A_1095 : i1 to i32
      %cond3A = arith.constant 0 : i32
      %cond3A_1096 = arith.cmpi ne, %convert_element_type3A, %cond3A : i32
      scf.if %cond3A_1096 {
        %add3A_1098 = arith.constant 6 : i32
        %add3A_1099 = arith.addi %scan3A_1063, %add3A_1098 : i32
        %get3A_1100 = arith.index_cast %add3A_1099 : i32 to index
        %get3A_1101 = arith.constant 0 : index
        %get3A_1102 = tpu.vector_load %arg5[%get3A_1100, %get3A_1101] {strides = array<i32>} : memref<16x128xi32, #tpu.memory_space<vmem>>, vector<1x16xi32>,
        %get3A_1103 = vector.shape_cast %get3A_1102 : vector<1x16xi32> to vector<16xi32>
        %max3A_1104 = arith.constant -1024 : i32
        %max3A_1105 = vector.broadcast %max3A_1104 : i32 to vector<16xi32>
        %max3A_1106 = arith.maxsi %get3A_1103, %max3A_1105 : vector<16xi32>
        %min3A_1107 = arith.constant 1024 : i32
        %min3A_1108 = vector.broadcast %min3A_1107 : i32 to vector<16xi32>
        %min3A_1109 = arith.minsi %max3A_1106, %min3A_1108 : vector<16xi32>
        %select_n3A_1110 = arith.select %ge3A_3, %min3A_1109, %get3A_1103 : vector<16xi32>
        %add3A_1111 = vector.broadcast %add3A : i32 to vector<16xi32>
        %add3A_1112 = arith.addi %select_n3A_1110, %add3A_1111 : vector<16xi32>
        %swap3A_1113 = arith.index_cast %add3A_1099 : i32 to index
        %swap3A_1114 = arith.constant 0 : index
        %swap3A_1115 = tpu.vector_load %arg5[%swap3A_1113, %swap3A_1114] {strides = array<i32>} : memref<16x128xi32, #tpu.memory_space<vmem>>, vector<1x16xi32>,
        %swap3A_1116 = vector.shape_cast %swap3A_1115 : vector<1x16xi32> to vector<16xi32>
        %swap3A_1117 = vector.shape_cast %add3A_1112 : vector<16xi32> to vector<1x16xi32>
        tpu.vector_store %arg5[%swap3A_1113, %swap3A_1114], %swap3A_1117 {strides = array<i32>} : memref<16x128xi32, #tpu.memory_space<vmem>>, vector<1x16xi32>,
        %get3A_1118 = arith.index_cast %add3A_1099 : i32 to index
        %get3A_1119 = arith.constant 16 : index
        %get3A_1120 = tpu.vector_load %arg5[%get3A_1118, %get3A_1119] {strides = array<i32>} : memref<16x128xi32, #tpu.memory_space<vmem>>, vector<1x16xi32>,
        %get3A_1121 = vector.shape_cast %get3A_1120 : vector<1x16xi32> to vector<16xi32>
        %max3A_1122 = arith.constant -1024 : i32
        %max3A_1123 = vector.broadcast %max3A_1122 : i32 to vector<16xi32>
        %max3A_1124 = arith.maxsi %get3A_1121, %max3A_1123 : vector<16xi32>
        %min3A_1125 = arith.constant 1024 : i32
        %min3A_1126 = vector.broadcast %min3A_1125 : i32 to vector<16xi32>
        %min3A_1127 = arith.minsi %max3A_1124, %min3A_1126 : vector<16xi32>
        %select_n3A_1128 = arith.select %ge3A_3, %min3A_1127, %get3A_1121 : vector<16xi32>
        %add3A_1129 = vector.broadcast %add3A : i32 to vector<16xi32>
        %add3A_1130 = arith.addi %select_n3A_1128, %add3A_1129 : vector<16xi32>
        %swap3A_1131 = arith.index_cast %add3A_1099 : i32 to index
        %swap3A_1132 = arith.constant 16 : index
        %swap3A_1133 = tpu.vector_load %arg5[%swap3A_1131, %swap3A_1132] {strides = array<i32>} : memref<16x128xi32, #tpu.memory_space<vmem>>, vector<1x16xi32>,
        %swap3A_1134 = vector.shape_cast %swap3A_1133 : vector<1x16xi32> to vector<16xi32>
        %swap3A_1135 = vector.shape_cast %add3A_1130 : vector<16xi32> to vector<1x16xi32>
        tpu.vector_store %arg5[%swap3A_1131, %swap3A_1132], %swap3A_1135 {strides = array<i32>} : memref<16x128xi32, #tpu.memory_space<vmem>>, vector<1x16xi32>,
        %get3A_1136 = arith.index_cast %add3A_1099 : i32 to index
        %get3A_1137 = arith.constant 32 : index
        %get3A_1138 = tpu.vector_load %arg5[%get3A_1136, %get3A_1137] {strides = array<i32>} : memref<16x128xi32, #tpu.memory_space<vmem>>, vector<1x16xi32>,
        %get3A_1139 = vector.shape_cast %get3A_1138 : vector<1x16xi32> to vector<16xi32>
        %max3A_1140 = arith.constant -1024 : i32
        %max3A_1141 = vector.broadcast %max3A_1140 : i32 to vector<16xi32>
        %max3A_1142 = arith.maxsi %get3A_1139, %max3A_1141 : vector<16xi32>
        %min3A_1143 = arith.constant 1024 : i32
        %min3A_1144 = vector.broadcast %min3A_1143 : i32 to vector<16xi32>
        %min3A_1145 = arith.minsi %max3A_1142, %min3A_1144 : vector<16xi32>
        %select_n3A_1146 = arith.select %ge3A_3, %min3A_1145, %get3A_1139 : vector<16xi32>
        %add3A_1147 = vector.broadcast %add3A : i32 to vector<16xi32>
        %add3A_1148 = arith.addi %select_n3A_1146, %add3A_1147 : vector<16xi32>
        %swap3A_1149 = arith.index_cast %add3A_1099 : i32 to index
        %swap3A_1150 = arith.constant 32 : index
        %swap3A_1151 = tpu.vector_load %arg5[%swap3A_1149, %swap3A_1150] {strides = array<i32>} : memref<16x128xi32, #tpu.memory_space<vmem>>, vector<1x16xi32>,
        %swap3A_1152 = vector.shape_cast %swap3A_1151 : vector<1x16xi32> to vector<16xi32>
        %swap3A_1153 = vector.shape_cast %add3A_1148 : vector<16xi32> to vector<1x16xi32>
        tpu.vector_store %arg5[%swap3A_1149, %swap3A_1150], %swap3A_1153 {strides = array<i32>} : memref<16x128xi32, #tpu.memory_space<vmem>>, vector<1x16xi32>,
        %get3A_1154 = arith.index_cast %add3A_1099 : i32 to index
        %get3A_1155 = arith.constant 48 : index
        %get3A_1156 = tpu.vector_load %arg5[%get3A_1154, %get3A_1155] {strides = array<i32>} : memref<16x128xi32, #tpu.memory_space<vmem>>, vector<1x16xi32>,
        %get3A_1157 = vector.shape_cast %get3A_1156 : vector<1x16xi32> to vector<16xi32>
        %max3A_1158 = arith.constant -1024 : i32
        %max3A_1159 = vector.broadcast %max3A_1158 : i32 to vector<16xi32>
        %max3A_1160 = arith.maxsi %get3A_1157, %max3A_1159 : vector<16xi32>
        %min3A_1161 = arith.constant 1024 : i32
        %min3A_1162 = vector.broadcast %min3A_1161 : i32 to vector<16xi32>
        %min3A_1163 = arith.minsi %max3A_1160, %min3A_1162 : vector<16xi32>
        %select_n3A_1164 = arith.select %ge3A_3, %min3A_1163, %get3A_1157 : vector<16xi32>
        %add3A_1165 = vector.broadcast %add3A : i32 to vector<16xi32>
        %add3A_1166 = arith.addi %select_n3A_1164, %add3A_1165 : vector<16xi32>
        %swap3A_1167 = arith.index_cast %add3A_1099 : i32 to index
        %swap3A_1168 = arith.constant 48 : index
        %swap3A_1169 = tpu.vector_load %arg5[%swap3A_1167, %swap3A_1168] {strides = array<i32>} : memref<16x128xi32, #tpu.memory_space<vmem>>, vector<1x16xi32>,
        %swap3A_1170 = vector.shape_cast %swap3A_1169 : vector<1x16xi32> to vector<16xi32>
        %swap3A_1171 = vector.shape_cast %add3A_1166 : vector<16xi32> to vector<1x16xi32>
        tpu.vector_store %arg5[%swap3A_1167, %swap3A_1168], %swap3A_1171 {strides = array<i32>} : memref<16x128xi32, #tpu.memory_space<vmem>>, vector<1x16xi32>,
        %get3A_1172 = arith.index_cast %add3A_1099 : i32 to index
        %get3A_1173 = arith.constant 64 : index
        %get3A_1174 = tpu.vector_load %arg5[%get3A_1172, %get3A_1173] {strides = array<i32>} : memref<16x128xi32, #tpu.memory_space<vmem>>, vector<1x16xi32>,
        %get3A_1175 = vector.shape_cast %get3A_1174 : vector<1x16xi32> to vector<16xi32>
        %max3A_1176 = arith.constant -1024 : i32
        %max3A_1177 = vector.broadcast %max3A_1176 : i32 to vector<16xi32>
        %max3A_1178 = arith.maxsi %get3A_1175, %max3A_1177 : vector<16xi32>
        %min3A_1179 = arith.constant 1024 : i32
        %min3A_1180 = vector.broadcast %min3A_1179 : i32 to vector<16xi32>
        %min3A_1181 = arith.minsi %max3A_1178, %min3A_1180 : vector<16xi32>
        %select_n3A_1182 = arith.select %ge3A_3, %min3A_1181, %get3A_1175 : vector<16xi32>
        %add3A_1183 = vector.broadcast %add3A : i32 to vector<16xi32>
        %add3A_1184 = arith.addi %select_n3A_1182, %add3A_1183 : vector<16xi32>
        %swap3A_1185 = arith.index_cast %add3A_1099 : i32 to index
        %swap3A_1186 = arith.constant 64 : index
        %swap3A_1187 = tpu.vector_load %arg5[%swap3A_1185, %swap3A_1186] {strides = array<i32>} : memref<16x128xi32, #tpu.memory_space<vmem>>, vector<1x16xi32>,
        %swap3A_1188 = vector.shape_cast %swap3A_1187 : vector<1x16xi32> to vector<16xi32>
        %swap3A_1189 = vector.shape_cast %add3A_1184 : vector<16xi32> to vector<1x16xi32>
        tpu.vector_store %arg5[%swap3A_1185, %swap3A_1186], %swap3A_1189 {strides = array<i32>} : memref<16x128xi32, #tpu.memory_space<vmem>>, vector<1x16xi32>,
        %get3A_1190 = arith.index_cast %add3A_1099 : i32 to index
        %get3A_1191 = arith.constant 80 : index
        %get3A_1192 = tpu.vector_load %arg5[%get3A_1190, %get3A_1191] {strides = array<i32>} : memref<16x128xi32, #tpu.memory_space<vmem>>, vector<1x16xi32>,
        %get3A_1193 = vector.shape_cast %get3A_1192 : vector<1x16xi32> to vector<16xi32>
        %max3A_1194 = arith.constant -1024 : i32
        %max3A_1195 = vector.broadcast %max3A_1194 : i32 to vector<16xi32>
        %max3A_1196 = arith.maxsi %get3A_1193, %max3A_1195 : vector<16xi32>
        %min3A_1197 = arith.constant 1024 : i32
        %min3A_1198 = vector.broadcast %min3A_1197 : i32 to vector<16xi32>
        %min3A_1199 = arith.minsi %max3A_1196, %min3A_1198 : vector<16xi32>
        %select_n3A_1200 = arith.select %ge3A_3, %min3A_1199, %get3A_1193 : vector<16xi32>
        %add3A_1201 = vector.broadcast %add3A : i32 to vector<16xi32>
        %add3A_1202 = arith.addi %select_n3A_1200, %add3A_1201 : vector<16xi32>
        %swap3A_1203 = arith.index_cast %add3A_1099 : i32 to index
        %swap3A_1204 = arith.constant 80 : index
        %swap3A_1205 = tpu.vector_load %arg5[%swap3A_1203, %swap3A_1204] {strides = array<i32>} : memref<16x128xi32, #tpu.memory_space<vmem>>, vector<1x16xi32>,
        %swap3A_1206 = vector.shape_cast %swap3A_1205 : vector<1x16xi32> to vector<16xi32>
        %swap3A_1207 = vector.shape_cast %add3A_1202 : vector<16xi32> to vector<1x16xi32>
        tpu.vector_store %arg5[%swap3A_1203, %swap3A_1204], %swap3A_1207 {strides = array<i32>} : memref<16x128xi32, #tpu.memory_space<vmem>>, vector<1x16xi32>,
        %get3A_1208 = arith.index_cast %add3A_1099 : i32 to index
        %get3A_1209 = arith.constant 96 : index
        %get3A_1210 = tpu.vector_load %arg5[%get3A_1208, %get3A_1209] {strides = array<i32>} : memref<16x128xi32, #tpu.memory_space<vmem>>, vector<1x16xi32>,
        %get3A_1211 = vector.shape_cast %get3A_1210 : vector<1x16xi32> to vector<16xi32>
        %max3A_1212 = arith.constant -1024 : i32
        %max3A_1213 = vector.broadcast %max3A_1212 : i32 to vector<16xi32>
        %max3A_1214 = arith.maxsi %get3A_1211, %max3A_1213 : vector<16xi32>
        %min3A_1215 = arith.constant 1024 : i32
        %min3A_1216 = vector.broadcast %min3A_1215 : i32 to vector<16xi32>
        %min3A_1217 = arith.minsi %max3A_1214, %min3A_1216 : vector<16xi32>
        %select_n3A_1218 = arith.select %ge3A_3, %min3A_1217, %get3A_1211 : vector<16xi32>
        %add3A_1219 = vector.broadcast %add3A : i32 to vector<16xi32>
        %add3A_1220 = arith.addi %select_n3A_1218, %add3A_1219 : vector<16xi32>
        %swap3A_1221 = arith.index_cast %add3A_1099 : i32 to index
        %swap3A_1222 = arith.constant 96 : index
        %swap3A_1223 = tpu.vector_load %arg5[%swap3A_1221, %swap3A_1222] {strides = array<i32>} : memref<16x128xi32, #tpu.memory_space<vmem>>, vector<1x16xi32>,
        %swap3A_1224 = vector.shape_cast %swap3A_1223 : vector<1x16xi32> to vector<16xi32>
        %swap3A_1225 = vector.shape_cast %add3A_1220 : vector<16xi32> to vector<1x16xi32>
        tpu.vector_store %arg5[%swap3A_1221, %swap3A_1222], %swap3A_1225 {strides = array<i32>} : memref<16x128xi32, #tpu.memory_space<vmem>>, vector<1x16xi32>,
        %get3A_1226 = arith.index_cast %add3A_1099 : i32 to index
        %get3A_1227 = arith.constant 112 : index
        %get3A_1228 = tpu.vector_load %arg5[%get3A_1226, %get3A_1227] {strides = array<i32>} : memref<16x128xi32, #tpu.memory_space<vmem>>, vector<1x16xi32>,
        %get3A_1229 = vector.shape_cast %get3A_1228 : vector<1x16xi32> to vector<16xi32>
        %max3A_1230 = arith.constant -1024 : i32
        %max3A_1231 = vector.broadcast %max3A_1230 : i32 to vector<16xi32>
        %max3A_1232 = arith.maxsi %get3A_1229, %max3A_1231 : vector<16xi32>
        %min3A_1233 = arith.constant 1024 : i32
        %min3A_1234 = vector.broadcast %min3A_1233 : i32 to vector<16xi32>
        %min3A_1235 = arith.minsi %max3A_1232, %min3A_1234 : vector<16xi32>
        %select_n3A_1236 = arith.select %ge3A_3, %min3A_1235, %get3A_1229 : vector<16xi32>
        %add3A_1237 = vector.broadcast %add3A : i32 to vector<16xi32>
        %add3A_1238 = arith.addi %select_n3A_1236, %add3A_1237 : vector<16xi32>
        %swap3A_1239 = arith.index_cast %add3A_1099 : i32 to index
        %swap3A_1240 = arith.constant 112 : index
        %swap3A_1241 = tpu.vector_load %arg5[%swap3A_1239, %swap3A_1240] {strides = array<i32>} : memref<16x128xi32, #tpu.memory_space<vmem>>, vector<1x16xi32>,
        %swap3A_1242 = vector.shape_cast %swap3A_1241 : vector<1x16xi32> to vector<16xi32>
        %swap3A_1243 = vector.shape_cast %add3A_1238 : vector<16xi32> to vector<1x16xi32>
        tpu.vector_store %arg5[%swap3A_1239, %swap3A_1240], %swap3A_1243 {strides = array<i32>} : memref<16x128xi32, #tpu.memory_space<vmem>>, vector<1x16xi32>,
        %add3A_1244 = arith.constant 6 : i32
        %add3A_1245 = arith.addi %scan3A_1063, %add3A_1244 : i32
        %jit3A_1246 = arith.constant 6 : i32
        %eq3A_1247 = arith.constant 0 : i32
        %eq3A_1248 = arith.cmpi eq, %jit3A_1246, %eq3A_1247 : i32
        %jit3A_1249 = arith.constant 1 : i32
        %select_n3A_1250 = arith.select %eq3A_1248, %jit3A_1249, %jit3A_1246 : i32
        %rem3A_1251 = arith.remsi %add3A_1245, %select_n3A_1250 : i32
        %ne3A_1252 = arith.constant 0 : i32
        %ne3A_1253 = arith.cmpi ne, %rem3A_1251, %ne3A_1252 : i32
        %lt3A_1254 = arith.constant 0 : i32
        %lt3A_1255 = arith.cmpi slt, %rem3A_1251, %lt3A_1254 : i32
        %lt3A_1256 = arith.constant 0 : i32
        %lt3A_1257 = arith.cmpi slt, %select_n3A_1250, %lt3A_1256 : i32
        %ne3A_1258 = arith.xori %lt3A_1255, %lt3A_1257 : i1
        %and3A_1259 = arith.andi %ne3A_1258, %ne3A_1253 : i1
        %add3A_1260 = arith.addi %rem3A_1251, %select_n3A_1250 : i32
        %select_n3A_1261 = arith.select %and3A_1259, %add3A_1260, %rem3A_1251 : i32
        %jit3A_1262 = arith.constant 6 : i32
        %eq3A_1263 = arith.constant 0 : i32
        %eq3A_1264 = arith.cmpi eq, %jit3A_1262, %eq3A_1263 : i32
        %jit3A_1265 = arith.constant 1 : i32
        %select_n3A_1266 = arith.select %eq3A_1264, %jit3A_1265, %jit3A_1262 : i32
        %rem3A_1267 = arith.remsi %add3A_1245, %select_n3A_1266 : i32
        %ne3A_1268 = arith.constant 0 : i32
        %ne3A_1269 = arith.cmpi ne, %rem3A_1267, %ne3A_1268 : i32
        %lt3A_1270 = arith.constant 0 : i32
        %lt3A_1271 = arith.cmpi slt, %rem3A_1267, %lt3A_1270 : i32
        %lt3A_1272 = arith.constant 0 : i32
        %lt3A_1273 = arith.cmpi slt, %select_n3A_1266, %lt3A_1272 : i32
        %ne3A_1274 = arith.xori %lt3A_1271, %lt3A_1273 : i1
        %and3A_1275 = arith.andi %ne3A_1274, %ne3A_1269 : i1
        %add3A_1276 = arith.addi %rem3A_1267, %select_n3A_1266 : i32
        %select_n3A_1277 = arith.select %and3A_1275, %add3A_1276, %rem3A_1267 : i32
        %dma_start3A_1278 = arith.constant 0 : i32
        %dma_start3A_1279 = arith.constant 0 : i32
        %dma_start3A_1280 = tpu.memref_slice %arg6[%select_n3A_1261, %dma_start3A_1278, %dma_start3A_1279] : memref<6x128x128xf32, #tpu.memory_space<vmem>> -> memref<1x128x128xf32, #tpu.memory_space<vmem>>
        %dma_start3A_1281 = tpu.memref_squeeze %dma_start3A_1280 : memref<1x128x128xf32, #tpu.memory_space<vmem>> -> memref<128x128xf32, #tpu.memory_space<vmem>>
        %dma_start3A_1282 = arith.constant 0 : i32
        %dma_start3A_1283 = tpu.memref_slice %arg5[%add3A_1245, %dma_start3A_1282] : memref<16x128xi32, #tpu.memory_space<vmem>> -> memref<1x128xi32, #tpu.memory_space<vmem>>
        %dma_start3A_1284 = tpu.memref_squeeze %dma_start3A_1283 : memref<1x128xi32, #tpu.memory_space<vmem>> -> memref<128xi32, #tpu.memory_space<vmem>>
        %dma_start3A_1285 = arith.constant 0 : i32
        %dma_start3A_1286 = arith.constant 0 : i32
        %dma_start3A_1287 = tpu.memref_slice %arg3[%dma_start3A_1285, %dma_start3A_1286] : memref<10256x128xf32, #tpu.memory_space<hbm>> -> memref<10256x128xf32, #tpu.memory_space<hbm>>
        %dma_start3A_1288 = tpu.memref_slice %arg7[%select_n3A_1277] : memref<6x!tpu.dma_semaphore, #tpu.memory_space<semaphore_mem>> -> memref<1x!tpu.dma_semaphore, #tpu.memory_space<semaphore_mem>>
        %dma_start3A_1289 = tpu.memref_squeeze %dma_start3A_1288 : memref<1x!tpu.dma_semaphore, #tpu.memory_space<semaphore_mem>> -> memref<!tpu.dma_semaphore, #tpu.memory_space<semaphore_mem>>
        tpu.enqueue_indirect_dma source(%dma_start3A_1287 : memref<10256x128xf32, #tpu.memory_space<hbm>>) target(%dma_start3A_1281 : memref<128x128xf32, #tpu.memory_space<vmem>>) offsets(%dma_start3A_1284 : memref<128xi32, #tpu.memory_space<vmem>>) semaphore(%dma_start3A_1289 : memref<!tpu.dma_semaphore, #tpu.memory_space<semaphore_mem>>)
      } else {
      }
      %scan3A_1097 = arith.constant 0 : i32
      scf.yield %scan3A_1097 : i32
    }
    %scan3A_1062 = arith.constant 16 : i32
    return
  }
}

module attributes {stable_mosaic.version = 14 : i64} {
  func.func @_prep_body(%arg0: memref<1024x64xf32, #tpu.memory_space<vmem>>, %arg1: memref<1024x64xf32, #tpu.memory_space<vmem>>, %arg2: memref<1024x64xf32, #tpu.memory_space<vmem>>, %arg3: memref<2049x64xf32, #tpu.memory_space<vmem>>, %arg4: memref<1024x64xf32, #tpu.memory_space<vmem>>, %arg5: memref<1024x64xf32, #tpu.memory_space<vmem>>, %arg6: memref<1024x64xf32, #tpu.memory_space<vmem>>, %arg7: memref<2049x64xf32, #tpu.memory_space<vmem>>, %arg8: memref<1024x64xf32, #tpu.memory_space<vmem>>, %arg9: memref<1024x64xf32, #tpu.memory_space<vmem>>, %arg10: memref<1024x64xf32, #tpu.memory_space<vmem>>, %arg11: memref<2049x64xf32, #tpu.memory_space<vmem>>, %arg12: memref<1024x64xf32, #tpu.memory_space<vmem>>, %arg13: memref<1024x64xf32, #tpu.memory_space<vmem>>, %arg14: memref<1024x64xf32, #tpu.memory_space<vmem>>, %arg15: memref<2049x64xf32, #tpu.memory_space<vmem>>, %arg16: memref<10256x128xf32, #tpu.memory_space<vmem>>) attributes {dimension_semantics = [], scalar_prefetch = 0 : i64, scratch_operands = 0 : i64, tpu.core_type = #tpu.core_type<tc>} {
    %get3A = arith.constant 0 : index
    %get3A_0 = arith.constant 0 : index
    %get3A_1 = vector.load %arg0[%get3A, %get3A_0] : memref<1024x64xf32, #tpu.memory_space<vmem>>, vector<1024x64xf32>
    %swap3A = arith.constant 0 : index
    %swap3A_2 = arith.constant 0 : index
    %swap3A_3 = vector.load %arg16[%swap3A, %swap3A_2] : memref<10256x128xf32, #tpu.memory_space<vmem>>, vector<1024x64xf32>
    tpu.vector_store %arg16[%swap3A, %swap3A_2], %get3A_1 {strides = array<i32>} : memref<10256x128xf32, #tpu.memory_space<vmem>>, vector<1024x64xf32>,
    %get3A_4 = arith.constant 0 : index
    %get3A_5 = arith.constant 0 : index
    %get3A_6 = vector.load %arg8[%get3A_4, %get3A_5] : memref<1024x64xf32, #tpu.memory_space<vmem>>, vector<1024x64xf32>
    %swap3A_7 = arith.constant 0 : index
    %swap3A_8 = arith.constant 64 : index
    %swap3A_9 = vector.load %arg16[%swap3A_7, %swap3A_8] : memref<10256x128xf32, #tpu.memory_space<vmem>>, vector<1024x64xf32>
    tpu.vector_store %arg16[%swap3A_7, %swap3A_8], %get3A_6 {strides = array<i32>} : memref<10256x128xf32, #tpu.memory_space<vmem>>, vector<1024x64xf32>,
    %get3A_10 = arith.constant 0 : index
    %get3A_11 = arith.constant 0 : index
    %get3A_12 = vector.load %arg1[%get3A_10, %get3A_11] : memref<1024x64xf32, #tpu.memory_space<vmem>>, vector<1024x64xf32>
    %swap3A_13 = arith.constant 1024 : index
    %swap3A_14 = arith.constant 0 : index
    %swap3A_15 = vector.load %arg16[%swap3A_13, %swap3A_14] : memref<10256x128xf32, #tpu.memory_space<vmem>>, vector<1024x64xf32>
    tpu.vector_store %arg16[%swap3A_13, %swap3A_14], %get3A_12 {strides = array<i32>} : memref<10256x128xf32, #tpu.memory_space<vmem>>, vector<1024x64xf32>,
    %get3A_16 = arith.constant 0 : index
    %get3A_17 = arith.constant 0 : index
    %get3A_18 = vector.load %arg9[%get3A_16, %get3A_17] : memref<1024x64xf32, #tpu.memory_space<vmem>>, vector<1024x64xf32>
    %swap3A_19 = arith.constant 1024 : index
    %swap3A_20 = arith.constant 64 : index
    %swap3A_21 = vector.load %arg16[%swap3A_19, %swap3A_20] : memref<10256x128xf32, #tpu.memory_space<vmem>>, vector<1024x64xf32>
    tpu.vector_store %arg16[%swap3A_19, %swap3A_20], %get3A_18 {strides = array<i32>} : memref<10256x128xf32, #tpu.memory_space<vmem>>, vector<1024x64xf32>,
    %get3A_22 = arith.constant 0 : index
    %get3A_23 = arith.constant 0 : index
    %get3A_24 = vector.load %arg2[%get3A_22, %get3A_23] : memref<1024x64xf32, #tpu.memory_space<vmem>>, vector<1024x64xf32>
    %swap3A_25 = arith.constant 2048 : index
    %swap3A_26 = arith.constant 0 : index
    %swap3A_27 = vector.load %arg16[%swap3A_25, %swap3A_26] : memref<10256x128xf32, #tpu.memory_space<vmem>>, vector<1024x64xf32>
    tpu.vector_store %arg16[%swap3A_25, %swap3A_26], %get3A_24 {strides = array<i32>} : memref<10256x128xf32, #tpu.memory_space<vmem>>, vector<1024x64xf32>,
    %get3A_28 = arith.constant 0 : index
    %get3A_29 = arith.constant 0 : index
    %get3A_30 = vector.load %arg10[%get3A_28, %get3A_29] : memref<1024x64xf32, #tpu.memory_space<vmem>>, vector<1024x64xf32>
    %swap3A_31 = arith.constant 2048 : index
    %swap3A_32 = arith.constant 64 : index
    %swap3A_33 = vector.load %arg16[%swap3A_31, %swap3A_32] : memref<10256x128xf32, #tpu.memory_space<vmem>>, vector<1024x64xf32>
    tpu.vector_store %arg16[%swap3A_31, %swap3A_32], %get3A_30 {strides = array<i32>} : memref<10256x128xf32, #tpu.memory_space<vmem>>, vector<1024x64xf32>,
    %get3A_34 = arith.constant 0 : index
    %get3A_35 = arith.constant 0 : index
    %get3A_36 = vector.load %arg3[%get3A_34, %get3A_35] : memref<2049x64xf32, #tpu.memory_space<vmem>>, vector<2049x64xf32>
    %swap3A_37 = arith.constant 3072 : index
    %swap3A_38 = arith.constant 0 : index
    %swap3A_39 = vector.load %arg16[%swap3A_37, %swap3A_38] : memref<10256x128xf32, #tpu.memory_space<vmem>>, vector<2049x64xf32>
    tpu.vector_store %arg16[%swap3A_37, %swap3A_38], %get3A_36 {strides = array<i32>} : memref<10256x128xf32, #tpu.memory_space<vmem>>, vector<2049x64xf32>,
    %get3A_40 = arith.constant 0 : index
    %get3A_41 = arith.constant 0 : index
    %get3A_42 = vector.load %arg11[%get3A_40, %get3A_41] : memref<2049x64xf32, #tpu.memory_space<vmem>>, vector<2049x64xf32>
    %swap3A_43 = arith.constant 3072 : index
    %swap3A_44 = arith.constant 64 : index
    %swap3A_45 = vector.load %arg16[%swap3A_43, %swap3A_44] : memref<10256x128xf32, #tpu.memory_space<vmem>>, vector<2049x64xf32>
    tpu.vector_store %arg16[%swap3A_43, %swap3A_44], %get3A_42 {strides = array<i32>} : memref<10256x128xf32, #tpu.memory_space<vmem>>, vector<2049x64xf32>,
    %get3A_46 = arith.constant 0 : index
    %get3A_47 = arith.constant 0 : index
    %get3A_48 = vector.load %arg4[%get3A_46, %get3A_47] : memref<1024x64xf32, #tpu.memory_space<vmem>>, vector<1024x64xf32>
    %swap3A_49 = arith.constant 5128 : index
    %swap3A_50 = arith.constant 0 : index
    %swap3A_51 = vector.load %arg16[%swap3A_49, %swap3A_50] : memref<10256x128xf32, #tpu.memory_space<vmem>>, vector<1024x64xf32>
    tpu.vector_store %arg16[%swap3A_49, %swap3A_50], %get3A_48 {strides = array<i32>} : memref<10256x128xf32, #tpu.memory_space<vmem>>, vector<1024x64xf32>,
    %get3A_52 = arith.constant 0 : index
    %get3A_53 = arith.constant 0 : index
    %get3A_54 = vector.load %arg12[%get3A_52, %get3A_53] : memref<1024x64xf32, #tpu.memory_space<vmem>>, vector<1024x64xf32>
    %swap3A_55 = arith.constant 5128 : index
    %swap3A_56 = arith.constant 64 : index
    %swap3A_57 = vector.load %arg16[%swap3A_55, %swap3A_56] : memref<10256x128xf32, #tpu.memory_space<vmem>>, vector<1024x64xf32>
    tpu.vector_store %arg16[%swap3A_55, %swap3A_56], %get3A_54 {strides = array<i32>} : memref<10256x128xf32, #tpu.memory_space<vmem>>, vector<1024x64xf32>,
    %get3A_58 = arith.constant 0 : index
    %get3A_59 = arith.constant 0 : index
    %get3A_60 = vector.load %arg5[%get3A_58, %get3A_59] : memref<1024x64xf32, #tpu.memory_space<vmem>>, vector<1024x64xf32>
    %swap3A_61 = arith.constant 6152 : index
    %swap3A_62 = arith.constant 0 : index
    %swap3A_63 = vector.load %arg16[%swap3A_61, %swap3A_62] : memref<10256x128xf32, #tpu.memory_space<vmem>>, vector<1024x64xf32>
    tpu.vector_store %arg16[%swap3A_61, %swap3A_62], %get3A_60 {strides = array<i32>} : memref<10256x128xf32, #tpu.memory_space<vmem>>, vector<1024x64xf32>,
    %get3A_64 = arith.constant 0 : index
    %get3A_65 = arith.constant 0 : index
    %get3A_66 = vector.load %arg13[%get3A_64, %get3A_65] : memref<1024x64xf32, #tpu.memory_space<vmem>>, vector<1024x64xf32>
    %swap3A_67 = arith.constant 6152 : index
    %swap3A_68 = arith.constant 64 : index
    %swap3A_69 = vector.load %arg16[%swap3A_67, %swap3A_68] : memref<10256x128xf32, #tpu.memory_space<vmem>>, vector<1024x64xf32>
    tpu.vector_store %arg16[%swap3A_67, %swap3A_68], %get3A_66 {strides = array<i32>} : memref<10256x128xf32, #tpu.memory_space<vmem>>, vector<1024x64xf32>,
    %get3A_70 = arith.constant 0 : index
    %get3A_71 = arith.constant 0 : index
    %get3A_72 = vector.load %arg6[%get3A_70, %get3A_71] : memref<1024x64xf32, #tpu.memory_space<vmem>>, vector<1024x64xf32>
    %swap3A_73 = arith.constant 7176 : index
    %swap3A_74 = arith.constant 0 : index
    %swap3A_75 = vector.load %arg16[%swap3A_73, %swap3A_74] : memref<10256x128xf32, #tpu.memory_space<vmem>>, vector<1024x64xf32>
    tpu.vector_store %arg16[%swap3A_73, %swap3A_74], %get3A_72 {strides = array<i32>} : memref<10256x128xf32, #tpu.memory_space<vmem>>, vector<1024x64xf32>,
    %get3A_76 = arith.constant 0 : index
    %get3A_77 = arith.constant 0 : index
    %get3A_78 = vector.load %arg14[%get3A_76, %get3A_77] : memref<1024x64xf32, #tpu.memory_space<vmem>>, vector<1024x64xf32>
    %swap3A_79 = arith.constant 7176 : index
    %swap3A_80 = arith.constant 64 : index
    %swap3A_81 = vector.load %arg16[%swap3A_79, %swap3A_80] : memref<10256x128xf32, #tpu.memory_space<vmem>>, vector<1024x64xf32>
    tpu.vector_store %arg16[%swap3A_79, %swap3A_80], %get3A_78 {strides = array<i32>} : memref<10256x128xf32, #tpu.memory_space<vmem>>, vector<1024x64xf32>,
    %get3A_82 = arith.constant 0 : index
    %get3A_83 = arith.constant 0 : index
    %get3A_84 = vector.load %arg7[%get3A_82, %get3A_83] : memref<2049x64xf32, #tpu.memory_space<vmem>>, vector<2049x64xf32>
    %swap3A_85 = arith.constant 8200 : index
    %swap3A_86 = arith.constant 0 : index
    %swap3A_87 = vector.load %arg16[%swap3A_85, %swap3A_86] : memref<10256x128xf32, #tpu.memory_space<vmem>>, vector<2049x64xf32>
    tpu.vector_store %arg16[%swap3A_85, %swap3A_86], %get3A_84 {strides = array<i32>} : memref<10256x128xf32, #tpu.memory_space<vmem>>, vector<2049x64xf32>,
    %get3A_88 = arith.constant 0 : index
    %get3A_89 = arith.constant 0 : index
    %get3A_90 = vector.load %arg15[%get3A_88, %get3A_89] : memref<2049x64xf32, #tpu.memory_space<vmem>>, vector<2049x64xf32>
    %swap3A_91 = arith.constant 8200 : index
    %swap3A_92 = arith.constant 64 : index
    %swap3A_93 = vector.load %arg16[%swap3A_91, %swap3A_92] : memref<10256x128xf32, #tpu.memory_space<vmem>>, vector<2049x64xf32>
    tpu.vector_store %arg16[%swap3A_91, %swap3A_92], %get3A_90 {strides = array<i32>} : memref<10256x128xf32, #tpu.memory_space<vmem>>, vector<2049x64xf32>,
    return
  }
}

module attributes {stable_mosaic.version = 14 : i64} {
  func.func @_finish_body(%arg0: i32, %arg1: memref<256x2048xf32, #tpu.memory_space<vmem>>, %arg2: memref<1x256x1024xf32, #tpu.memory_space<vmem>>, %arg3: memref<1x256x1024xf32, #tpu.memory_space<vmem>>) attributes {dimension_semantics = [#tpu.dimension_semantics<arbitrary>], iteration_bounds = array<i64: 16>, scalar_prefetch = 0 : i64, scratch_operands = 0 : i64, tpu.core_type = #tpu.core_type<tc>, window_params = [{transform_indices = @transform_0, window_bounds = array<i64: 256, 2048>}, {transform_indices = @transform_1, window_bounds = array<i64: 1, 256, 1024>}, {transform_indices = @transform_2, window_bounds = array<i64: 1, 256, 1024>}]} {
    %get3A = arith.constant 0 : index
    %get3A_0 = arith.constant 0 : index
    %get3A_1 = vector.load %arg1[%get3A, %get3A_0] : memref<256x2048xf32, #tpu.memory_space<vmem>>, vector<256x64xf32>
    %swap3A = arith.constant 0 : index
    %swap3A_2 = arith.constant 0 : index
    %swap3A_3 = arith.constant 0 : index
    %swap3A_4 = vector.load %arg2[%swap3A, %swap3A_2, %swap3A_3] : memref<1x256x1024xf32, #tpu.memory_space<vmem>>, vector<1x256x64xf32>
    %swap3A_5 = vector.shape_cast %swap3A_4 : vector<1x256x64xf32> to vector<256x64xf32>
    %swap3A_6 = vector.shape_cast %get3A_1 : vector<256x64xf32> to vector<1x256x64xf32>
    tpu.vector_store %arg2[%swap3A, %swap3A_2, %swap3A_3], %swap3A_6 {strides = array<i32>} : memref<1x256x1024xf32, #tpu.memory_space<vmem>>, vector<1x256x64xf32>,
    %get3A_7 = arith.constant 0 : index
    %get3A_8 = arith.constant 64 : index
    %get3A_9 = vector.load %arg1[%get3A_7, %get3A_8] : memref<256x2048xf32, #tpu.memory_space<vmem>>, vector<256x64xf32>
    %swap3A_10 = arith.constant 0 : index
    %swap3A_11 = arith.constant 0 : index
    %swap3A_12 = arith.constant 0 : index
    %swap3A_13 = vector.load %arg3[%swap3A_10, %swap3A_11, %swap3A_12] : memref<1x256x1024xf32, #tpu.memory_space<vmem>>, vector<1x256x64xf32>
    %swap3A_14 = vector.shape_cast %swap3A_13 : vector<1x256x64xf32> to vector<256x64xf32>
    %swap3A_15 = vector.shape_cast %get3A_9 : vector<256x64xf32> to vector<1x256x64xf32>
    tpu.vector_store %arg3[%swap3A_10, %swap3A_11, %swap3A_12], %swap3A_15 {strides = array<i32>} : memref<1x256x1024xf32, #tpu.memory_space<vmem>>, vector<1x256x64xf32>,
    %get3A_16 = arith.constant 0 : index
    %get3A_17 = arith.constant 128 : index
    %get3A_18 = vector.load %arg1[%get3A_16, %get3A_17] : memref<256x2048xf32, #tpu.memory_space<vmem>>, vector<256x64xf32>
    %swap3A_19 = arith.constant 0 : index
    %swap3A_20 = arith.constant 0 : index
    %swap3A_21 = arith.constant 64 : index
    %swap3A_22 = vector.load %arg2[%swap3A_19, %swap3A_20, %swap3A_21] : memref<1x256x1024xf32, #tpu.memory_space<vmem>>, vector<1x256x64xf32>
    %swap3A_23 = vector.shape_cast %swap3A_22 : vector<1x256x64xf32> to vector<256x64xf32>
    %swap3A_24 = vector.shape_cast %get3A_18 : vector<256x64xf32> to vector<1x256x64xf32>
    tpu.vector_store %arg2[%swap3A_19, %swap3A_20, %swap3A_21], %swap3A_24 {strides = array<i32>} : memref<1x256x1024xf32, #tpu.memory_space<vmem>>, vector<1x256x64xf32>,
    %get3A_25 = arith.constant 0 : index
    %get3A_26 = arith.constant 192 : index
    %get3A_27 = vector.load %arg1[%get3A_25, %get3A_26] : memref<256x2048xf32, #tpu.memory_space<vmem>>, vector<256x64xf32>
    %swap3A_28 = arith.constant 0 : index
    %swap3A_29 = arith.constant 0 : index
    %swap3A_30 = arith.constant 64 : index
    %swap3A_31 = vector.load %arg3[%swap3A_28, %swap3A_29, %swap3A_30] : memref<1x256x1024xf32, #tpu.memory_space<vmem>>, vector<1x256x64xf32>
    %swap3A_32 = vector.shape_cast %swap3A_31 : vector<1x256x64xf32> to vector<256x64xf32>
    %swap3A_33 = vector.shape_cast %get3A_27 : vector<256x64xf32> to vector<1x256x64xf32>
    tpu.vector_store %arg3[%swap3A_28, %swap3A_29, %swap3A_30], %swap3A_33 {strides = array<i32>} : memref<1x256x1024xf32, #tpu.memory_space<vmem>>, vector<1x256x64xf32>,
    %get3A_34 = arith.constant 0 : index
    %get3A_35 = arith.constant 256 : index
    %get3A_36 = vector.load %arg1[%get3A_34, %get3A_35] : memref<256x2048xf32, #tpu.memory_space<vmem>>, vector<256x64xf32>
    %swap3A_37 = arith.constant 0 : index
    %swap3A_38 = arith.constant 0 : index
    %swap3A_39 = arith.constant 128 : index
    %swap3A_40 = vector.load %arg2[%swap3A_37, %swap3A_38, %swap3A_39] : memref<1x256x1024xf32, #tpu.memory_space<vmem>>, vector<1x256x64xf32>
    %swap3A_41 = vector.shape_cast %swap3A_40 : vector<1x256x64xf32> to vector<256x64xf32>
    %swap3A_42 = vector.shape_cast %get3A_36 : vector<256x64xf32> to vector<1x256x64xf32>
    tpu.vector_store %arg2[%swap3A_37, %swap3A_38, %swap3A_39], %swap3A_42 {strides = array<i32>} : memref<1x256x1024xf32, #tpu.memory_space<vmem>>, vector<1x256x64xf32>,
    %get3A_43 = arith.constant 0 : index
    %get3A_44 = arith.constant 320 : index
    %get3A_45 = vector.load %arg1[%get3A_43, %get3A_44] : memref<256x2048xf32, #tpu.memory_space<vmem>>, vector<256x64xf32>
    %swap3A_46 = arith.constant 0 : index
    %swap3A_47 = arith.constant 0 : index
    %swap3A_48 = arith.constant 128 : index
    %swap3A_49 = vector.load %arg3[%swap3A_46, %swap3A_47, %swap3A_48] : memref<1x256x1024xf32, #tpu.memory_space<vmem>>, vector<1x256x64xf32>
    %swap3A_50 = vector.shape_cast %swap3A_49 : vector<1x256x64xf32> to vector<256x64xf32>
    %swap3A_51 = vector.shape_cast %get3A_45 : vector<256x64xf32> to vector<1x256x64xf32>
    tpu.vector_store %arg3[%swap3A_46, %swap3A_47, %swap3A_48], %swap3A_51 {strides = array<i32>} : memref<1x256x1024xf32, #tpu.memory_space<vmem>>, vector<1x256x64xf32>,
    %get3A_52 = arith.constant 0 : index
    %get3A_53 = arith.constant 384 : index
    %get3A_54 = vector.load %arg1[%get3A_52, %get3A_53] : memref<256x2048xf32, #tpu.memory_space<vmem>>, vector<256x64xf32>
    %swap3A_55 = arith.constant 0 : index
    %swap3A_56 = arith.constant 0 : index
    %swap3A_57 = arith.constant 192 : index
    %swap3A_58 = vector.load %arg2[%swap3A_55, %swap3A_56, %swap3A_57] : memref<1x256x1024xf32, #tpu.memory_space<vmem>>, vector<1x256x64xf32>
    %swap3A_59 = vector.shape_cast %swap3A_58 : vector<1x256x64xf32> to vector<256x64xf32>
    %swap3A_60 = vector.shape_cast %get3A_54 : vector<256x64xf32> to vector<1x256x64xf32>
    tpu.vector_store %arg2[%swap3A_55, %swap3A_56, %swap3A_57], %swap3A_60 {strides = array<i32>} : memref<1x256x1024xf32, #tpu.memory_space<vmem>>, vector<1x256x64xf32>,
    %get3A_61 = arith.constant 0 : index
    %get3A_62 = arith.constant 448 : index
    %get3A_63 = vector.load %arg1[%get3A_61, %get3A_62] : memref<256x2048xf32, #tpu.memory_space<vmem>>, vector<256x64xf32>
    %swap3A_64 = arith.constant 0 : index
    %swap3A_65 = arith.constant 0 : index
    %swap3A_66 = arith.constant 192 : index
    %swap3A_67 = vector.load %arg3[%swap3A_64, %swap3A_65, %swap3A_66] : memref<1x256x1024xf32, #tpu.memory_space<vmem>>, vector<1x256x64xf32>
    %swap3A_68 = vector.shape_cast %swap3A_67 : vector<1x256x64xf32> to vector<256x64xf32>
    %swap3A_69 = vector.shape_cast %get3A_63 : vector<256x64xf32> to vector<1x256x64xf32>
    tpu.vector_store %arg3[%swap3A_64, %swap3A_65, %swap3A_66], %swap3A_69 {strides = array<i32>} : memref<1x256x1024xf32, #tpu.memory_space<vmem>>, vector<1x256x64xf32>,
    %get3A_70 = arith.constant 0 : index
    %get3A_71 = arith.constant 512 : index
    %get3A_72 = vector.load %arg1[%get3A_70, %get3A_71] : memref<256x2048xf32, #tpu.memory_space<vmem>>, vector<256x64xf32>
    %swap3A_73 = arith.constant 0 : index
    %swap3A_74 = arith.constant 0 : index
    %swap3A_75 = arith.constant 256 : index
    %swap3A_76 = vector.load %arg2[%swap3A_73, %swap3A_74, %swap3A_75] : memref<1x256x1024xf32, #tpu.memory_space<vmem>>, vector<1x256x64xf32>
    %swap3A_77 = vector.shape_cast %swap3A_76 : vector<1x256x64xf32> to vector<256x64xf32>
    %swap3A_78 = vector.shape_cast %get3A_72 : vector<256x64xf32> to vector<1x256x64xf32>
    tpu.vector_store %arg2[%swap3A_73, %swap3A_74, %swap3A_75], %swap3A_78 {strides = array<i32>} : memref<1x256x1024xf32, #tpu.memory_space<vmem>>, vector<1x256x64xf32>,
    %get3A_79 = arith.constant 0 : index
    %get3A_80 = arith.constant 576 : index
    %get3A_81 = vector.load %arg1[%get3A_79, %get3A_80] : memref<256x2048xf32, #tpu.memory_space<vmem>>, vector<256x64xf32>
    %swap3A_82 = arith.constant 0 : index
    %swap3A_83 = arith.constant 0 : index
    %swap3A_84 = arith.constant 256 : index
    %swap3A_85 = vector.load %arg3[%swap3A_82, %swap3A_83, %swap3A_84] : memref<1x256x1024xf32, #tpu.memory_space<vmem>>, vector<1x256x64xf32>
    %swap3A_86 = vector.shape_cast %swap3A_85 : vector<1x256x64xf32> to vector<256x64xf32>
    %swap3A_87 = vector.shape_cast %get3A_81 : vector<256x64xf32> to vector<1x256x64xf32>
    tpu.vector_store %arg3[%swap3A_82, %swap3A_83, %swap3A_84], %swap3A_87 {strides = array<i32>} : memref<1x256x1024xf32, #tpu.memory_space<vmem>>, vector<1x256x64xf32>,
    %get3A_88 = arith.constant 0 : index
    %get3A_89 = arith.constant 640 : index
    %get3A_90 = vector.load %arg1[%get3A_88, %get3A_89] : memref<256x2048xf32, #tpu.memory_space<vmem>>, vector<256x64xf32>
    %swap3A_91 = arith.constant 0 : index
    %swap3A_92 = arith.constant 0 : index
    %swap3A_93 = arith.constant 320 : index
    %swap3A_94 = vector.load %arg2[%swap3A_91, %swap3A_92, %swap3A_93] : memref<1x256x1024xf32, #tpu.memory_space<vmem>>, vector<1x256x64xf32>
    %swap3A_95 = vector.shape_cast %swap3A_94 : vector<1x256x64xf32> to vector<256x64xf32>
    %swap3A_96 = vector.shape_cast %get3A_90 : vector<256x64xf32> to vector<1x256x64xf32>
    tpu.vector_store %arg2[%swap3A_91, %swap3A_92, %swap3A_93], %swap3A_96 {strides = array<i32>} : memref<1x256x1024xf32, #tpu.memory_space<vmem>>, vector<1x256x64xf32>,
    %get3A_97 = arith.constant 0 : index
    %get3A_98 = arith.constant 704 : index
    %get3A_99 = vector.load %arg1[%get3A_97, %get3A_98] : memref<256x2048xf32, #tpu.memory_space<vmem>>, vector<256x64xf32>
    %swap3A_100 = arith.constant 0 : index
    %swap3A_101 = arith.constant 0 : index
    %swap3A_102 = arith.constant 320 : index
    %swap3A_103 = vector.load %arg3[%swap3A_100, %swap3A_101, %swap3A_102] : memref<1x256x1024xf32, #tpu.memory_space<vmem>>, vector<1x256x64xf32>
    %swap3A_104 = vector.shape_cast %swap3A_103 : vector<1x256x64xf32> to vector<256x64xf32>
    %swap3A_105 = vector.shape_cast %get3A_99 : vector<256x64xf32> to vector<1x256x64xf32>
    tpu.vector_store %arg3[%swap3A_100, %swap3A_101, %swap3A_102], %swap3A_105 {strides = array<i32>} : memref<1x256x1024xf32, #tpu.memory_space<vmem>>, vector<1x256x64xf32>,
    %get3A_106 = arith.constant 0 : index
    %get3A_107 = arith.constant 768 : index
    %get3A_108 = vector.load %arg1[%get3A_106, %get3A_107] : memref<256x2048xf32, #tpu.memory_space<vmem>>, vector<256x64xf32>
    %swap3A_109 = arith.constant 0 : index
    %swap3A_110 = arith.constant 0 : index
    %swap3A_111 = arith.constant 384 : index
    %swap3A_112 = vector.load %arg2[%swap3A_109, %swap3A_110, %swap3A_111] : memref<1x256x1024xf32, #tpu.memory_space<vmem>>, vector<1x256x64xf32>
    %swap3A_113 = vector.shape_cast %swap3A_112 : vector<1x256x64xf32> to vector<256x64xf32>
    %swap3A_114 = vector.shape_cast %get3A_108 : vector<256x64xf32> to vector<1x256x64xf32>
    tpu.vector_store %arg2[%swap3A_109, %swap3A_110, %swap3A_111], %swap3A_114 {strides = array<i32>} : memref<1x256x1024xf32, #tpu.memory_space<vmem>>, vector<1x256x64xf32>,
    %get3A_115 = arith.constant 0 : index
    %get3A_116 = arith.constant 832 : index
    %get3A_117 = vector.load %arg1[%get3A_115, %get3A_116] : memref<256x2048xf32, #tpu.memory_space<vmem>>, vector<256x64xf32>
    %swap3A_118 = arith.constant 0 : index
    %swap3A_119 = arith.constant 0 : index
    %swap3A_120 = arith.constant 384 : index
    %swap3A_121 = vector.load %arg3[%swap3A_118, %swap3A_119, %swap3A_120] : memref<1x256x1024xf32, #tpu.memory_space<vmem>>, vector<1x256x64xf32>
    %swap3A_122 = vector.shape_cast %swap3A_121 : vector<1x256x64xf32> to vector<256x64xf32>
    %swap3A_123 = vector.shape_cast %get3A_117 : vector<256x64xf32> to vector<1x256x64xf32>
    tpu.vector_store %arg3[%swap3A_118, %swap3A_119, %swap3A_120], %swap3A_123 {strides = array<i32>} : memref<1x256x1024xf32, #tpu.memory_space<vmem>>, vector<1x256x64xf32>,
    %get3A_124 = arith.constant 0 : index
    %get3A_125 = arith.constant 896 : index
    %get3A_126 = vector.load %arg1[%get3A_124, %get3A_125] : memref<256x2048xf32, #tpu.memory_space<vmem>>, vector<256x64xf32>
    %swap3A_127 = arith.constant 0 : index
    %swap3A_128 = arith.constant 0 : index
    %swap3A_129 = arith.constant 448 : index
    %swap3A_130 = vector.load %arg2[%swap3A_127, %swap3A_128, %swap3A_129] : memref<1x256x1024xf32, #tpu.memory_space<vmem>>, vector<1x256x64xf32>
    %swap3A_131 = vector.shape_cast %swap3A_130 : vector<1x256x64xf32> to vector<256x64xf32>
    %swap3A_132 = vector.shape_cast %get3A_126 : vector<256x64xf32> to vector<1x256x64xf32>
    tpu.vector_store %arg2[%swap3A_127, %swap3A_128, %swap3A_129], %swap3A_132 {strides = array<i32>} : memref<1x256x1024xf32, #tpu.memory_space<vmem>>, vector<1x256x64xf32>,
    %get3A_133 = arith.constant 0 : index
    %get3A_134 = arith.constant 960 : index
    %get3A_135 = vector.load %arg1[%get3A_133, %get3A_134] : memref<256x2048xf32, #tpu.memory_space<vmem>>, vector<256x64xf32>
    %swap3A_136 = arith.constant 0 : index
    %swap3A_137 = arith.constant 0 : index
    %swap3A_138 = arith.constant 448 : index
    %swap3A_139 = vector.load %arg3[%swap3A_136, %swap3A_137, %swap3A_138] : memref<1x256x1024xf32, #tpu.memory_space<vmem>>, vector<1x256x64xf32>
    %swap3A_140 = vector.shape_cast %swap3A_139 : vector<1x256x64xf32> to vector<256x64xf32>
    %swap3A_141 = vector.shape_cast %get3A_135 : vector<256x64xf32> to vector<1x256x64xf32>
    tpu.vector_store %arg3[%swap3A_136, %swap3A_137, %swap3A_138], %swap3A_141 {strides = array<i32>} : memref<1x256x1024xf32, #tpu.memory_space<vmem>>, vector<1x256x64xf32>,
    %get3A_142 = arith.constant 0 : index
    %get3A_143 = arith.constant 1024 : index
    %get3A_144 = vector.load %arg1[%get3A_142, %get3A_143] : memref<256x2048xf32, #tpu.memory_space<vmem>>, vector<256x64xf32>
    %swap3A_145 = arith.constant 0 : index
    %swap3A_146 = arith.constant 0 : index
    %swap3A_147 = arith.constant 512 : index
    %swap3A_148 = vector.load %arg2[%swap3A_145, %swap3A_146, %swap3A_147] : memref<1x256x1024xf32, #tpu.memory_space<vmem>>, vector<1x256x64xf32>
    %swap3A_149 = vector.shape_cast %swap3A_148 : vector<1x256x64xf32> to vector<256x64xf32>
    %swap3A_150 = vector.shape_cast %get3A_144 : vector<256x64xf32> to vector<1x256x64xf32>
    tpu.vector_store %arg2[%swap3A_145, %swap3A_146, %swap3A_147], %swap3A_150 {strides = array<i32>} : memref<1x256x1024xf32, #tpu.memory_space<vmem>>, vector<1x256x64xf32>,
    %get3A_151 = arith.constant 0 : index
    %get3A_152 = arith.constant 1088 : index
    %get3A_153 = vector.load %arg1[%get3A_151, %get3A_152] : memref<256x2048xf32, #tpu.memory_space<vmem>>, vector<256x64xf32>
    %swap3A_154 = arith.constant 0 : index
    %swap3A_155 = arith.constant 0 : index
    %swap3A_156 = arith.constant 512 : index
    %swap3A_157 = vector.load %arg3[%swap3A_154, %swap3A_155, %swap3A_156] : memref<1x256x1024xf32, #tpu.memory_space<vmem>>, vector<1x256x64xf32>
    %swap3A_158 = vector.shape_cast %swap3A_157 : vector<1x256x64xf32> to vector<256x64xf32>
    %swap3A_159 = vector.shape_cast %get3A_153 : vector<256x64xf32> to vector<1x256x64xf32>
    tpu.vector_store %arg3[%swap3A_154, %swap3A_155, %swap3A_156], %swap3A_159 {strides = array<i32>} : memref<1x256x1024xf32, #tpu.memory_space<vmem>>, vector<1x256x64xf32>,
    %get3A_160 = arith.constant 0 : index
    %get3A_161 = arith.constant 1152 : index
    %get3A_162 = vector.load %arg1[%get3A_160, %get3A_161] : memref<256x2048xf32, #tpu.memory_space<vmem>>, vector<256x64xf32>
    %swap3A_163 = arith.constant 0 : index
    %swap3A_164 = arith.constant 0 : index
    %swap3A_165 = arith.constant 576 : index
    %swap3A_166 = vector.load %arg2[%swap3A_163, %swap3A_164, %swap3A_165] : memref<1x256x1024xf32, #tpu.memory_space<vmem>>, vector<1x256x64xf32>
    %swap3A_167 = vector.shape_cast %swap3A_166 : vector<1x256x64xf32> to vector<256x64xf32>
    %swap3A_168 = vector.shape_cast %get3A_162 : vector<256x64xf32> to vector<1x256x64xf32>
    tpu.vector_store %arg2[%swap3A_163, %swap3A_164, %swap3A_165], %swap3A_168 {strides = array<i32>} : memref<1x256x1024xf32, #tpu.memory_space<vmem>>, vector<1x256x64xf32>,
    %get3A_169 = arith.constant 0 : index
    %get3A_170 = arith.constant 1216 : index
    %get3A_171 = vector.load %arg1[%get3A_169, %get3A_170] : memref<256x2048xf32, #tpu.memory_space<vmem>>, vector<256x64xf32>
    %swap3A_172 = arith.constant 0 : index
    %swap3A_173 = arith.constant 0 : index
    %swap3A_174 = arith.constant 576 : index
    %swap3A_175 = vector.load %arg3[%swap3A_172, %swap3A_173, %swap3A_174] : memref<1x256x1024xf32, #tpu.memory_space<vmem>>, vector<1x256x64xf32>
    %swap3A_176 = vector.shape_cast %swap3A_175 : vector<1x256x64xf32> to vector<256x64xf32>
    %swap3A_177 = vector.shape_cast %get3A_171 : vector<256x64xf32> to vector<1x256x64xf32>
    tpu.vector_store %arg3[%swap3A_172, %swap3A_173, %swap3A_174], %swap3A_177 {strides = array<i32>} : memref<1x256x1024xf32, #tpu.memory_space<vmem>>, vector<1x256x64xf32>,
    %get3A_178 = arith.constant 0 : index
    %get3A_179 = arith.constant 1280 : index
    %get3A_180 = vector.load %arg1[%get3A_178, %get3A_179] : memref<256x2048xf32, #tpu.memory_space<vmem>>, vector<256x64xf32>
    %swap3A_181 = arith.constant 0 : index
    %swap3A_182 = arith.constant 0 : index
    %swap3A_183 = arith.constant 640 : index
    %swap3A_184 = vector.load %arg2[%swap3A_181, %swap3A_182, %swap3A_183] : memref<1x256x1024xf32, #tpu.memory_space<vmem>>, vector<1x256x64xf32>
    %swap3A_185 = vector.shape_cast %swap3A_184 : vector<1x256x64xf32> to vector<256x64xf32>
    %swap3A_186 = vector.shape_cast %get3A_180 : vector<256x64xf32> to vector<1x256x64xf32>
    tpu.vector_store %arg2[%swap3A_181, %swap3A_182, %swap3A_183], %swap3A_186 {strides = array<i32>} : memref<1x256x1024xf32, #tpu.memory_space<vmem>>, vector<1x256x64xf32>,
    %get3A_187 = arith.constant 0 : index
    %get3A_188 = arith.constant 1344 : index
    %get3A_189 = vector.load %arg1[%get3A_187, %get3A_188] : memref<256x2048xf32, #tpu.memory_space<vmem>>, vector<256x64xf32>
    %swap3A_190 = arith.constant 0 : index
    %swap3A_191 = arith.constant 0 : index
    %swap3A_192 = arith.constant 640 : index
    %swap3A_193 = vector.load %arg3[%swap3A_190, %swap3A_191, %swap3A_192] : memref<1x256x1024xf32, #tpu.memory_space<vmem>>, vector<1x256x64xf32>
    %swap3A_194 = vector.shape_cast %swap3A_193 : vector<1x256x64xf32> to vector<256x64xf32>
    %swap3A_195 = vector.shape_cast %get3A_189 : vector<256x64xf32> to vector<1x256x64xf32>
    tpu.vector_store %arg3[%swap3A_190, %swap3A_191, %swap3A_192], %swap3A_195 {strides = array<i32>} : memref<1x256x1024xf32, #tpu.memory_space<vmem>>, vector<1x256x64xf32>,
    %get3A_196 = arith.constant 0 : index
    %get3A_197 = arith.constant 1408 : index
    %get3A_198 = vector.load %arg1[%get3A_196, %get3A_197] : memref<256x2048xf32, #tpu.memory_space<vmem>>, vector<256x64xf32>
    %swap3A_199 = arith.constant 0 : index
    %swap3A_200 = arith.constant 0 : index
    %swap3A_201 = arith.constant 704 : index
    %swap3A_202 = vector.load %arg2[%swap3A_199, %swap3A_200, %swap3A_201] : memref<1x256x1024xf32, #tpu.memory_space<vmem>>, vector<1x256x64xf32>
    %swap3A_203 = vector.shape_cast %swap3A_202 : vector<1x256x64xf32> to vector<256x64xf32>
    %swap3A_204 = vector.shape_cast %get3A_198 : vector<256x64xf32> to vector<1x256x64xf32>
    tpu.vector_store %arg2[%swap3A_199, %swap3A_200, %swap3A_201], %swap3A_204 {strides = array<i32>} : memref<1x256x1024xf32, #tpu.memory_space<vmem>>, vector<1x256x64xf32>,
    %get3A_205 = arith.constant 0 : index
    %get3A_206 = arith.constant 1472 : index
    %get3A_207 = vector.load %arg1[%get3A_205, %get3A_206] : memref<256x2048xf32, #tpu.memory_space<vmem>>, vector<256x64xf32>
    %swap3A_208 = arith.constant 0 : index
    %swap3A_209 = arith.constant 0 : index
    %swap3A_210 = arith.constant 704 : index
    %swap3A_211 = vector.load %arg3[%swap3A_208, %swap3A_209, %swap3A_210] : memref<1x256x1024xf32, #tpu.memory_space<vmem>>, vector<1x256x64xf32>
    %swap3A_212 = vector.shape_cast %swap3A_211 : vector<1x256x64xf32> to vector<256x64xf32>
    %swap3A_213 = vector.shape_cast %get3A_207 : vector<256x64xf32> to vector<1x256x64xf32>
    tpu.vector_store %arg3[%swap3A_208, %swap3A_209, %swap3A_210], %swap3A_213 {strides = array<i32>} : memref<1x256x1024xf32, #tpu.memory_space<vmem>>, vector<1x256x64xf32>,
    %get3A_214 = arith.constant 0 : index
    %get3A_215 = arith.constant 1536 : index
    %get3A_216 = vector.load %arg1[%get3A_214, %get3A_215] : memref<256x2048xf32, #tpu.memory_space<vmem>>, vector<256x64xf32>
    %swap3A_217 = arith.constant 0 : index
    %swap3A_218 = arith.constant 0 : index
    %swap3A_219 = arith.constant 768 : index
    %swap3A_220 = vector.load %arg2[%swap3A_217, %swap3A_218, %swap3A_219] : memref<1x256x1024xf32, #tpu.memory_space<vmem>>, vector<1x256x64xf32>
    %swap3A_221 = vector.shape_cast %swap3A_220 : vector<1x256x64xf32> to vector<256x64xf32>
    %swap3A_222 = vector.shape_cast %get3A_216 : vector<256x64xf32> to vector<1x256x64xf32>
    tpu.vector_store %arg2[%swap3A_217, %swap3A_218, %swap3A_219], %swap3A_222 {strides = array<i32>} : memref<1x256x1024xf32, #tpu.memory_space<vmem>>, vector<1x256x64xf32>,
    %get3A_223 = arith.constant 0 : index
    %get3A_224 = arith.constant 1600 : index
    %get3A_225 = vector.load %arg1[%get3A_223, %get3A_224] : memref<256x2048xf32, #tpu.memory_space<vmem>>, vector<256x64xf32>
    %swap3A_226 = arith.constant 0 : index
    %swap3A_227 = arith.constant 0 : index
    %swap3A_228 = arith.constant 768 : index
    %swap3A_229 = vector.load %arg3[%swap3A_226, %swap3A_227, %swap3A_228] : memref<1x256x1024xf32, #tpu.memory_space<vmem>>, vector<1x256x64xf32>
    %swap3A_230 = vector.shape_cast %swap3A_229 : vector<1x256x64xf32> to vector<256x64xf32>
    %swap3A_231 = vector.shape_cast %get3A_225 : vector<256x64xf32> to vector<1x256x64xf32>
    tpu.vector_store %arg3[%swap3A_226, %swap3A_227, %swap3A_228], %swap3A_231 {strides = array<i32>} : memref<1x256x1024xf32, #tpu.memory_space<vmem>>, vector<1x256x64xf32>,
    %get3A_232 = arith.constant 0 : index
    %get3A_233 = arith.constant 1664 : index
    %get3A_234 = vector.load %arg1[%get3A_232, %get3A_233] : memref<256x2048xf32, #tpu.memory_space<vmem>>, vector<256x64xf32>
    %swap3A_235 = arith.constant 0 : index
    %swap3A_236 = arith.constant 0 : index
    %swap3A_237 = arith.constant 832 : index
    %swap3A_238 = vector.load %arg2[%swap3A_235, %swap3A_236, %swap3A_237] : memref<1x256x1024xf32, #tpu.memory_space<vmem>>, vector<1x256x64xf32>
    %swap3A_239 = vector.shape_cast %swap3A_238 : vector<1x256x64xf32> to vector<256x64xf32>
    %swap3A_240 = vector.shape_cast %get3A_234 : vector<256x64xf32> to vector<1x256x64xf32>
    tpu.vector_store %arg2[%swap3A_235, %swap3A_236, %swap3A_237], %swap3A_240 {strides = array<i32>} : memref<1x256x1024xf32, #tpu.memory_space<vmem>>, vector<1x256x64xf32>,
    %get3A_241 = arith.constant 0 : index
    %get3A_242 = arith.constant 1728 : index
    %get3A_243 = vector.load %arg1[%get3A_241, %get3A_242] : memref<256x2048xf32, #tpu.memory_space<vmem>>, vector<256x64xf32>
    %swap3A_244 = arith.constant 0 : index
    %swap3A_245 = arith.constant 0 : index
    %swap3A_246 = arith.constant 832 : index
    %swap3A_247 = vector.load %arg3[%swap3A_244, %swap3A_245, %swap3A_246] : memref<1x256x1024xf32, #tpu.memory_space<vmem>>, vector<1x256x64xf32>
    %swap3A_248 = vector.shape_cast %swap3A_247 : vector<1x256x64xf32> to vector<256x64xf32>
    %swap3A_249 = vector.shape_cast %get3A_243 : vector<256x64xf32> to vector<1x256x64xf32>
    tpu.vector_store %arg3[%swap3A_244, %swap3A_245, %swap3A_246], %swap3A_249 {strides = array<i32>} : memref<1x256x1024xf32, #tpu.memory_space<vmem>>, vector<1x256x64xf32>,
    %get3A_250 = arith.constant 0 : index
    %get3A_251 = arith.constant 1792 : index
    %get3A_252 = vector.load %arg1[%get3A_250, %get3A_251] : memref<256x2048xf32, #tpu.memory_space<vmem>>, vector<256x64xf32>
    %swap3A_253 = arith.constant 0 : index
    %swap3A_254 = arith.constant 0 : index
    %swap3A_255 = arith.constant 896 : index
    %swap3A_256 = vector.load %arg2[%swap3A_253, %swap3A_254, %swap3A_255] : memref<1x256x1024xf32, #tpu.memory_space<vmem>>, vector<1x256x64xf32>
    %swap3A_257 = vector.shape_cast %swap3A_256 : vector<1x256x64xf32> to vector<256x64xf32>
    %swap3A_258 = vector.shape_cast %get3A_252 : vector<256x64xf32> to vector<1x256x64xf32>
    tpu.vector_store %arg2[%swap3A_253, %swap3A_254, %swap3A_255], %swap3A_258 {strides = array<i32>} : memref<1x256x1024xf32, #tpu.memory_space<vmem>>, vector<1x256x64xf32>,
    %get3A_259 = arith.constant 0 : index
    %get3A_260 = arith.constant 1856 : index
    %get3A_261 = vector.load %arg1[%get3A_259, %get3A_260] : memref<256x2048xf32, #tpu.memory_space<vmem>>, vector<256x64xf32>
    %swap3A_262 = arith.constant 0 : index
    %swap3A_263 = arith.constant 0 : index
    %swap3A_264 = arith.constant 896 : index
    %swap3A_265 = vector.load %arg3[%swap3A_262, %swap3A_263, %swap3A_264] : memref<1x256x1024xf32, #tpu.memory_space<vmem>>, vector<1x256x64xf32>
    %swap3A_266 = vector.shape_cast %swap3A_265 : vector<1x256x64xf32> to vector<256x64xf32>
    %swap3A_267 = vector.shape_cast %get3A_261 : vector<256x64xf32> to vector<1x256x64xf32>
    tpu.vector_store %arg3[%swap3A_262, %swap3A_263, %swap3A_264], %swap3A_267 {strides = array<i32>} : memref<1x256x1024xf32, #tpu.memory_space<vmem>>, vector<1x256x64xf32>,
    %get3A_268 = arith.constant 0 : index
    %get3A_269 = arith.constant 1920 : index
    %get3A_270 = vector.load %arg1[%get3A_268, %get3A_269] : memref<256x2048xf32, #tpu.memory_space<vmem>>, vector<256x64xf32>
    %swap3A_271 = arith.constant 0 : index
    %swap3A_272 = arith.constant 0 : index
    %swap3A_273 = arith.constant 960 : index
    %swap3A_274 = vector.load %arg2[%swap3A_271, %swap3A_272, %swap3A_273] : memref<1x256x1024xf32, #tpu.memory_space<vmem>>, vector<1x256x64xf32>
    %swap3A_275 = vector.shape_cast %swap3A_274 : vector<1x256x64xf32> to vector<256x64xf32>
    %swap3A_276 = vector.shape_cast %get3A_270 : vector<256x64xf32> to vector<1x256x64xf32>
    tpu.vector_store %arg2[%swap3A_271, %swap3A_272, %swap3A_273], %swap3A_276 {strides = array<i32>} : memref<1x256x1024xf32, #tpu.memory_space<vmem>>, vector<1x256x64xf32>,
    %get3A_277 = arith.constant 0 : index
    %get3A_278 = arith.constant 1984 : index
    %get3A_279 = vector.load %arg1[%get3A_277, %get3A_278] : memref<256x2048xf32, #tpu.memory_space<vmem>>, vector<256x64xf32>
    %swap3A_280 = arith.constant 0 : index
    %swap3A_281 = arith.constant 0 : index
    %swap3A_282 = arith.constant 960 : index
    %swap3A_283 = vector.load %arg3[%swap3A_280, %swap3A_281, %swap3A_282] : memref<1x256x1024xf32, #tpu.memory_space<vmem>>, vector<1x256x64xf32>
    %swap3A_284 = vector.shape_cast %swap3A_283 : vector<1x256x64xf32> to vector<256x64xf32>
    %swap3A_285 = vector.shape_cast %get3A_279 : vector<256x64xf32> to vector<1x256x64xf32>
    tpu.vector_store %arg3[%swap3A_280, %swap3A_281, %swap3A_282], %swap3A_285 {strides = array<i32>} : memref<1x256x1024xf32, #tpu.memory_space<vmem>>, vector<1x256x64xf32>,
    return
  }
  func.func @transform_0(%arg0: i32) -> (i32, i32) {
    %c0_i32 = arith.constant 0 : i32
    %c0_i32_0 = arith.constant 0 : i32
    return %arg0, %c0_i32 : i32, i32
  }
  func.func @transform_1(%arg0: i32) -> (i32, i32, i32) {
    %jit3A = arith.constant 8 : i32
    %div3A = arith.divsi %arg0, %jit3A : i32
    %sign3A = arith.constant 0 : i32
    %sign3A_0 = arith.cmpi sgt, %arg0, %sign3A : i32
    %sign3A_1 = arith.extui %sign3A_0 : i1 to i32
    %sign3A_2 = arith.constant 0 : i32
    %sign3A_3 = arith.cmpi slt, %arg0, %sign3A_2 : i32
    %sign3A_4 = arith.extui %sign3A_3 : i1 to i32
    %sign3A_5 = arith.subi %sign3A_1, %sign3A_4 : i32
    %sign3A_6 = arith.constant 0 : i32
    %sign3A_7 = arith.cmpi sgt, %jit3A, %sign3A_6 : i32
    %sign3A_8 = arith.extui %sign3A_7 : i1 to i32
    %sign3A_9 = arith.constant 0 : i32
    %sign3A_10 = arith.cmpi slt, %jit3A, %sign3A_9 : i32
    %sign3A_11 = arith.extui %sign3A_10 : i1 to i32
    %sign3A_12 = arith.subi %sign3A_8, %sign3A_11 : i32
    %ne3A = arith.cmpi ne, %sign3A_5, %sign3A_12 : i32
    %rem3A = arith.remsi %arg0, %jit3A : i32
    %ne3A_13 = arith.constant 0 : i32
    %ne3A_14 = arith.cmpi ne, %rem3A, %ne3A_13 : i32
    %and3A = arith.andi %ne3A, %ne3A_14 : i1
    %sub3A = arith.constant 1 : i32
    %sub3A_15 = arith.subi %div3A, %sub3A : i32
    %select_n3A = arith.select %and3A, %sub3A_15, %div3A : i32
    %jit3A_16 = arith.constant 8 : i32
    %eq3A = arith.constant 0 : i32
    %eq3A_17 = arith.cmpi eq, %jit3A_16, %eq3A : i32
    %jit3A_18 = arith.constant 1 : i32
    %select_n3A_19 = arith.select %eq3A_17, %jit3A_18, %jit3A_16 : i32
    %rem3A_20 = arith.remsi %arg0, %select_n3A_19 : i32
    %ne3A_21 = arith.constant 0 : i32
    %ne3A_22 = arith.cmpi ne, %rem3A_20, %ne3A_21 : i32
    %lt3A = arith.constant 0 : i32
    %lt3A_23 = arith.cmpi slt, %rem3A_20, %lt3A : i32
    %lt3A_24 = arith.constant 0 : i32
    %lt3A_25 = arith.cmpi slt, %select_n3A_19, %lt3A_24 : i32
    %ne3A_26 = arith.xori %lt3A_23, %lt3A_25 : i1
    %and3A_27 = arith.andi %ne3A_26, %ne3A_22 : i1
    %add3A = arith.addi %rem3A_20, %select_n3A_19 : i32
    %select_n3A_28 = arith.select %and3A_27, %add3A, %rem3A_20 : i32
    %c0_i32 = arith.constant 0 : i32
    %c0_i32_29 = arith.constant 0 : i32
    return %select_n3A, %select_n3A_28, %c0_i32 : i32, i32, i32
  }
  func.func @transform_2(%arg0: i32) -> (i32, i32, i32) {
    %jit3A = arith.constant 8 : i32
    %div3A = arith.divsi %arg0, %jit3A : i32
    %sign3A = arith.constant 0 : i32
    %sign3A_0 = arith.cmpi sgt, %arg0, %sign3A : i32
    %sign3A_1 = arith.extui %sign3A_0 : i1 to i32
    %sign3A_2 = arith.constant 0 : i32
    %sign3A_3 = arith.cmpi slt, %arg0, %sign3A_2 : i32
    %sign3A_4 = arith.extui %sign3A_3 : i1 to i32
    %sign3A_5 = arith.subi %sign3A_1, %sign3A_4 : i32
    %sign3A_6 = arith.constant 0 : i32
    %sign3A_7 = arith.cmpi sgt, %jit3A, %sign3A_6 : i32
    %sign3A_8 = arith.extui %sign3A_7 : i1 to i32
    %sign3A_9 = arith.constant 0 : i32
    %sign3A_10 = arith.cmpi slt, %jit3A, %sign3A_9 : i32
    %sign3A_11 = arith.extui %sign3A_10 : i1 to i32
    %sign3A_12 = arith.subi %sign3A_8, %sign3A_11 : i32
    %ne3A = arith.cmpi ne, %sign3A_5, %sign3A_12 : i32
    %rem3A = arith.remsi %arg0, %jit3A : i32
    %ne3A_13 = arith.constant 0 : i32
    %ne3A_14 = arith.cmpi ne, %rem3A, %ne3A_13 : i32
    %and3A = arith.andi %ne3A, %ne3A_14 : i1
    %sub3A = arith.constant 1 : i32
    %sub3A_15 = arith.subi %div3A, %sub3A : i32
    %select_n3A = arith.select %and3A, %sub3A_15, %div3A : i32
    %jit3A_16 = arith.constant 8 : i32
    %eq3A = arith.constant 0 : i32
    %eq3A_17 = arith.cmpi eq, %jit3A_16, %eq3A : i32
    %jit3A_18 = arith.constant 1 : i32
    %select_n3A_19 = arith.select %eq3A_17, %jit3A_18, %jit3A_16 : i32
    %rem3A_20 = arith.remsi %arg0, %select_n3A_19 : i32
    %ne3A_21 = arith.constant 0 : i32
    %ne3A_22 = arith.cmpi ne, %rem3A_20, %ne3A_21 : i32
    %lt3A = arith.constant 0 : i32
    %lt3A_23 = arith.cmpi slt, %rem3A_20, %lt3A : i32
    %lt3A_24 = arith.constant 0 : i32
    %lt3A_25 = arith.cmpi slt, %select_n3A_19, %lt3A_24 : i32
    %ne3A_26 = arith.xori %lt3A_23, %lt3A_25 : i1
    %and3A_27 = arith.andi %ne3A_26, %ne3A_22 : i1
    %add3A = arith.addi %rem3A_20, %select_n3A_19 : i32
    %select_n3A_28 = arith.select %and3A_27, %add3A, %rem3A_20 : i32
    %c0_i32 = arith.constant 0 : i32
    %c0_i32_29 = arith.constant 0 : i32
    return %select_n3A, %select_n3A_28, %c0_i32 : i32, i32, i32
  }
}

</mosaic_0001>

<sc_bundles>
// kernel: kernel.5.cloned.1.call-start
scs
__scs_entry_jumppad:
0x0: {  	(pc) =	sbr.rel $0x88, $3  }
0x1: {  	(tag) =	ssettag $0x0;
	lr =	simm.s32 $0x1  }
0x2: {  	[smem:$0x3F8F] =	sst lr;
	_ =	strace $0xD0000000  }
0x3: {  	_ = 	snop  }
0x4: {  	_ = 	snop  }
0x5: {  	_ = 	snop  }
0x6: {  	_ = 	snop  }
0x7: {  	_ = 	snop  }
__scs_overlays_trampoline_lowered:
0x8: {  	[smem:$0x3F9E] =	sst s0  }
0x9: {  	[smem:$0x3F9F] =	sst s1  }
0xa: {  	[smem:$0x3FA0] =	sst s2  }
0xb: {  	[smem:$0x3FA1] =	sst s3  }
0xc: {  	[smem:$0x3FA2] =	sst s4  }
0xd: {  	[smem:$0x3FA3] =	sst s5  }
0xe: {  	[smem:$0x3FA4] =	sst s6  }
0xf: {  	[smem:$0x3FA5] =	sst s7  }
0x10: {  	[smem:$0x3FA6] =	sst s8  }
0x11: {  	[smem:$0x3FA7] =	sst s9;
	s0 =	simm.s32 @!p0 $0x0  }
0x12: {  	s1 =	sld [smem:$0x3F8D];
	s0 =	simm.s32 @p0 $0x1  }
0x13: {  	[smem:$0x3FA8] =	sst s0;
	s0 =	simm.s32 @!p1 $0x0  }
0x14: {  	s2 =	sld [smem:$0x3F8C];
	s0 =	simm.s32 @p1 $0x1  }
0x15: {  	[smem:$0x3FA9] =	sst s0;
	s0 =	simm.s32 @!p2 $0x0  }
0x16: {  	s3 =	sld [smem:$0x3FDB];
	s0 =	simm.s32 @p2 $0x1  }
0x17: {  	s4 =	simm.s32 $0x1BF5;
	[smem:$0x3FAB] =	sst s0  }
0x18: {  	s0 =	sld [smem:$0x3F8E];
	_ =	swait.ge [sflag:s4], $0x0  }
0x19: {  	s7 =	sld [smem:$0x3F8F]  }
0x1a: {  	s8 =	sadd.s32 $0xFFFFE003, lr  }
0x1b: {  	s9 =	sadd.s32 $0xFFFFFEF7, lr;
	s5 =	simm.s32 $0xFFFFFFFF;
	p2 =	slt.u32 s8, $0xFFFFF086  }
0x1c: {  	p1 =	slt.u32 s9, $0xF7A;
	s5 =	simm.s32 @!p2 $0x0  }
0x1d: {  	s5 =	simm.s32 @p1 $0x1;
	p0 =	seq.s32 s7, s2  }
0x1e: {  	s7 =	smul.u32 @!p0 $0xF7A, s2;
	p2 =	seq.s32 @!p0 s5, $0x0  }
0x1f: {  	s9 =	smul.u32 $0xF7A, s1;
	s8 =	simm.s32 @!p0 $0x1BF5;
	p2 =	por !p2, p0  }
0x20: {  	[sflag:s8] =	ssyncset.s32 @!p0 $0xFFFFF086;
	s6 =	sadd.s32 @!p0 s3, s7;
	s7 =	simm.s32 @!p0 $0x108  }
0x21: {  	s3 =	sadd.s32 s3, s9;
	s6 =	sadd.s32 @!p0 $0x88, s6;
	s7 =	simm.s32 @p2 $0x1082  }
0x22: {  	[simem:s7], [sflag:s8] =	dma.local @!p0 [hbm:s6], $0xF7A  }
0x23: {  	s9 =	sor.u32 $0xD0000000, s2;
	s6 =	simm.s32 $0x108;
	_ =	swait.ge @!p0 [sflag:s8], $0x0  }
0x24: {  	s3 =	sadd.s32 $0x88, s3;
	s6 =	simm.s32 @!p1 $0x1082;
	[sflag:s4] =	ssyncset.s32 $0xFFFFF086  }
0x25: {  	[simem:s6], [sflag:s4] =	dma.local [hbm:s3], $0xF7A  }
0x26: {  	[smem:$0x3F8F] =	sst s1;
	(tag) =	ssettag s2;
	_ =	strace s9  }
0x27: {  	s1 =	sld [smem:$0x3F9F]  }
0x28: {  	s2 =	sld [smem:$0x3FA0]  }
0x29: {  	s4 =	sld [smem:$0x3FA2]  }
0x2a: {  	p0 =	seq.s32 s5, $0x0;
	s5 =	sld [smem:$0x3FA3]  }
0x2b: {  	s6 =	sld [smem:$0x3FA4]  }
0x2c: {  	s7 =	sld [smem:$0x3FA5]  }
0x2d: {  	s3 =	simm.s32 $0x108;
	s8 =	sld [smem:$0x3FA6]  }
0x2e: {  	s3 =	simm.s32 @!p0 $0x1082;
	s9 =	sld [smem:$0x3FA7]  }
0x2f: {  	lr =	sadd.s32 s0, s3;
	s0 =	sld [smem:$0x3F9E]  }
0x30: {  	s3 =	sld [smem:$0x3FA1]  }
0x31: {  	[smem:$0x3FAA] =	sst s10  }
0x32: {  	s10 =	sld [smem:$0x3FA8];
	_ =	sdelay $0x3  }
0x33: {  	p0 =	seq.s32 s10, $0x1;
	s10 =	sld [smem:$0x3FAA];
	_ =	sdelay $0x3  }
0x34: {  	[smem:$0x3FAA] =	sst s10  }
0x35: {  	s10 =	sld [smem:$0x3FA9];
	_ =	sdelay $0x3  }
0x36: {  	p1 =	seq.s32 s10, $0x1;
	s10 =	sld [smem:$0x3FAA];
	_ =	sdelay $0x3  }
0x37: {  	[smem:$0x3FAA] =	sst s10  }
0x38: {  	s10 =	sld [smem:$0x3FAB]  }
0x39: {  	_ = 	snop;
	(pc) =	sbr.ind lr, $3  }
0x3a: {  	_ = 	snop  }
0x3b: {  	_ = 	snop  }
0x3c: {  	p2 =	seq.s32 s10, $0x1;
	s10 =	sld [smem:$0x3FAA]  }
0x3d: {  	_ =	shalt  }
0x3e: {  	_ =	shalt  }
0x3f: {  	_ =	shalt  }
0x40: {  	_ =	shalt  }
0x41: {  	_ =	shalt  }
0x42: {  	_ =	shalt  }
0x43: {  	_ =	shalt  }
0x44: {  	_ =	shalt  }
0x45: {  	_ =	shalt  }
0x46: {  	_ =	shalt  }
0x47: {  	_ =	shalt  }
0x48: {  	_ =	shalt  }
0x49: {  	_ =	shalt  }
0x4a: {  	_ =	shalt  }
0x4b: {  	_ =	shalt  }
0x4c: {  	_ =	shalt  }
0x4d: {  	_ =	shalt  }
0x4e: {  	_ =	shalt  }
0x4f: {  	_ =	shalt  }
0x50: {  	_ =	shalt  }
0x51: {  	_ =	shalt  }
0x52: {  	_ =	shalt  }
0x53: {  	_ =	shalt  }
0x54: {  	_ =	shalt  }
0x55: {  	_ =	shalt  }
0x56: {  	_ =	shalt  }
0x57: {  	_ =	shalt  }
0x58: {  	_ =	shalt  }
0x59: {  	_ =	shalt  }
0x5a: {  	_ =	shalt  }
0x5b: {  	_ =	shalt  }
0x5c: {  	_ =	shalt  }
0x5d: {  	_ =	shalt  }
0x5e: {  	_ =	shalt  }
0x5f: {  	_ =	shalt  }
0x60: {  	_ =	shalt  }
0x61: {  	_ =	shalt  }
0x62: {  	_ =	shalt  }
0x63: {  	_ =	shalt  }
0x64: {  	_ =	shalt  }
0x65: {  	_ =	shalt  }
0x66: {  	_ =	shalt  }
0x67: {  	_ =	shalt  }
0x68: {  	_ =	shalt  }
0x69: {  	_ =	shalt  }
0x6a: {  	_ =	shalt  }
0x6b: {  	_ =	shalt  }
0x6c: {  	_ =	shalt  }
0x6d: {  	_ =	shalt  }
0x6e: {  	_ =	shalt  }
0x6f: {  	_ =	shalt  }
0x70: {  	_ =	shalt  }
0x71: {  	_ =	shalt  }
0x72: {  	_ =	shalt  }
0x73: {  	_ =	shalt  }
0x74: {  	_ =	shalt  }
0x75: {  	_ =	shalt  }
0x76: {  	_ =	shalt  }
0x77: {  	_ =	shalt  }
0x78: {  	_ =	shalt  }
0x79: {  	_ =	shalt  }
0x7a: {  	_ =	shalt  }
0x7b: {  	_ =	shalt  }
0x7c: {  	_ =	shalt  }
0x7d: {  	_ =	shalt  }
0x7e: {  	_ =	shalt  }
0x7f: {  	_ =	shalt  }
0x80: {  	_ =	shalt  }
0x81: {  	_ =	shalt  }
0x82: {  	_ =	shalt  }
0x83: {  	_ =	shalt  }
0x84: {  	_ =	shalt  }
0x85: {  	_ =	shalt  }
0x86: {  	_ =	shalt  }
0x87: {  	_ =	shalt  }
.Lfunc_end0:
.L_simem_size_0:
called_computation_lowered:
.L_overlay_start_0:
0x88: {  	s2 =	sld [smem:$0x3FD9]  }
0x89: {  	s3 =	sld [smem:$0x3FFE];
	_ =	sdelay $0x1  }
0x8a: {  	s1 =	srdreg.scid  }
0x8b: {  	s0 =	sand.u32 $0x1, s1  }
0x8c: {  	s14 =	sshll.u32 s0, $0xA;
	s2 =	sadd.s32 s3, s2  }
0x8d: {  	s2 =	sadd.s32 s2, s14  }
0x8e: {  	[smem:$0x3FB6] =	sst s2  }
0x8f: {  	_ = 	snop  }
0x90: {  	s2 =	sld [smem:$0x3FD0];
	_ =	sdelay $0x2  }
0x91: {  	s15 =	simm.s32 $0xA;
	s4 =	simm.s32 $0x10  }
0x92: {  	[smem:s4], [sflag:s15] =	dma.local [hbm:s2], $0x1  }
0x93: {  	_ =	swait.eq [sflag:s15], $0x1  }
0x94: {  	[sflag:s15] =	ssyncset.done $0x0  }
0x95: {  	s16 =	sld [smem:$0x12];
	[sflag:s15] =	ssyncadd.s32 $0xFFFFFFFF  }
0x96: {  	s17 =	sld [smem:$0x13];
	(tm) =	ssettm $0x1  }
0x97: {  	s18 =	sld [smem:$0x3FFB];
	_ =	sdelay $0x3  }
0x98: {  	_ =	strace s18  }
0x99: {  	s4 =	sld [smem:$0x3FFC];
	_ =	sdelay $0x3  }
0x9a: {  	_ =	strace s4  }
0x9b: {  	s4 =	sld [smem:$0x3FFD];
	_ =	sdelay $0x3  }
0x9c: {  	_ =	strace s4  }
0x9d: {  	_ =	strace $0x8FFFFFFF  }
0x9e: {  	s19 =	sld [smem:$0x3FDB];
	_ =	sdelay $0x1  }
0x9f: {  	s5 =	simm.s32 $_scs_section_size  }
0xa0: {  	s6 =	simm.s32 $_size__tile_overlayer_lowered;
	s7 =	simm.s32 $_tile_overlayer_lowered  }
0xa1: {  	s22 =	simm.s32 $0x1BFF;
	s21 =	sshll.u32 s7, $0x1;
	s4 =	sadd.s32 s5, s19  }
0xa2: {  	s8 =	simm.s32 $0x0;
	s20 =	sshll.u32 s6, $0x1;
	s6 =	sadd.s32 s21, s4  }
0xa3: {  	[timem:s8], [sflag:s22] =	dma.local [hbm:s6], s20  }
0xa4: {  	_ =	swait.ge [sflag:s22], s20  }
0xa5: {  	s5 =	ssub.s32 $0x0, s20;
	[sflag:s22] =	ssyncset.done $0x0  }
0xa6: {  	[sflag:s22] =	ssyncadd.s32 s5;
	_ =	sdelay $0x1  }
0xa7: {  	s23 =	simm.s32 $0x1B8B  }
0xa8: {  	_ =	swait.ge [sflag:s23], $0x1  }
0xa9: {  	[sflag:s23] =	ssyncset.done $0x0  }
0xaa: {  	s25 =	simm.s32 $0x1B8E;
	s24 =	sld [smem:$0x3FFE];
	[sflag:s23] =	ssyncadd.s32 $0xFFFFFFFF  }
0xab: {  	s26 =	simm.s32 $execute0_lowered;
	[smem:$0x3FD2] =	sst s25  }
0xac: {  	s6 =	sshll.u32 s26, $0x1;
	_ =	strace $0x80000046;
	[dreg:$0x1] =	wrdreg $0xFFFFFFFF  }
0xad: {  	s28 =	simm.s32 $_size_execute0_lowered;
	s4 =	sadd.s32 s4, s6;
	[dreg:$0x0] =	wrdreg $0x0  }
0xae: {  	s6 =	sshll.u32 s28, $0x1;
	[dreg:$0x2] =	wrdreg s4  }
0xaf: {  	[dreg:$0x3] =	wrdreg s6  }
0xb0: {  	[dreg:$0x4] =	wrdreg $0xC0  }
0xb1: {  	_ =	task [dreg:s8], $0x5FFFF  }
0xb2: {  	[dreg:$0x1] =	wrdreg $0xFFFFFFFF  }
0xb3: {  	[dreg:$0x0] =	wrdreg $0x60  }
0xb4: {  	[dreg:$0x2] =	wrdreg s16  }
0xb5: {  	[dreg:$0x3] =	wrdreg s17  }
0xb6: {  	[dreg:$0x4] =	wrdreg s24  }
0xb7: {  	[dreg:$0x5] =	wrdreg $0x9  }
0xb8: {  	_ =	task.clear_ibuf [dreg:s8], $0x6FFFF;
	_ =	strace $0x90000046  }
0xb9: {  	s29 =	simm.s32 $0x9;
	_ =	strace $0x80000048  }
0xba: {  	_ =	swait.ge [sflag:s29], $0x1  }
0xbb: {  	[sflag:s29] =	ssyncadd.s32 $0xFFFFFFFF  }
0xbc: {  	_ =	strace $0x90000048  }
0xbd: {  	_ =	sfence  }
0xbe: {  	s30 =	sld [smem:$0x0];
	_ =	sdelay $0x2  }
0xbf: {  	s31 =	sshll.u32 s1, $0xD;
	s1 =	sshrl.u32 s1, $0x2  }
0xc0: {  	s3 =	sand.u32 $0x4000, s31;
	s1 =	sadd.s32 s1, s30  }
0xc1: {  	s0 =	sor.u32 s3, s0;
	s1 =	sshll.u32 s1, $0x11  }
0xc2: {  	s0 =	sor.u32 s1, s0  }
0xc3: {  	s0 =	sadd.s32 $0x8F2B, s0  }
0xc4: {  	[sflag:s0] =	ssyncadd.remote.s32 $0x1  }
0xc5: {  	_ =	sfence.sel $0xFFFF  }
0xc6: {  	[dreg:$0x0] =	wrdreg $0xFFFFFFFF;
	(pc) =	sbr.abs _section_cstart, $3  }
0xc7: {  	[dreg:$0x1] =	wrdreg $0xFFFFFFFF  }
0xc8: {  	_ =	task.clear_ibuf [dreg:s8], $0x2FFFF;
	_ =	strace $0x9FFFFFFF  }
0xc9: {  	(tm) =	ssettm $0x7FFFFFFF  }
tec
execute0_lowered:
.L_overlay_start_1:
0x0: {  	(tag) =	ssettag $0x1  }
0x1: {  	s4 =	rddreg [dreg:$0x0]  }
0x2: {  	s1 =	rddreg [dreg:$0x1]  }
0x3: {  	s5 =	rddreg [dreg:$0x2]  }
0x4: {  	s0 =	rddreg [dreg:$0x3]  }
0x5: {  	s3 =	simm.s32 $0x0;
	s6 =	srdreg.scid;
	s2 =	stileid.u32  }
0x6: {  	s7 =	simm.s32 $0xFFFFFFF8;
	s10 =	simm.s32 $0x1408;
	s12 =	simm.s32 $0x8800  }
0x7: {  	s13 =	simm.s32 $0x180;
	s14 =	simm.s32 $0xC800;
	s15 =	simm.s32 $0x200  }
0x8: {  	s16 =	simm.s32 $0x10800;
	s17 =	simm.s32 $0x280;
	s18 =	simm.s32 $0x14800  }
0x9: {  	s20 =	simm.s32 $0x4000;
	s21 =	simm.s32 $0x0;
	[smem:$0x7FF] =	sst s3  }
0xa: {  	s6 =	sand.u32 $0x1, s6;
	p1 =	sgt.u32 s2, $0x7;
	s30 =	sshll.u32 s2, $0x9  }
0xb: {  	s11 =	sshll.u32 s2, $0x7;
	_ =	strace $0x80000047;
	s8 =	sshll.u32 s6, $0x13  }
0xc: {  	s9 =	ssub.s32 $0x2, s6;
	s7 =	simm.s32 @!p1 $0x0;
	s6 =	sshll.u32 s6, $0x8  }
0xd: {  	s10 =	simm.s32 @!p1 $0x0;
	s5 =	sadd.s32 s8, s5;
	s29 =	sshrl.u32 s9, $0x1  }
0xe: {  	s7 =	sadd.s32 s2, s7;
	s4 =	sadd.s32 s4, s6;
	s8 =	ssub.s32 s9, s29  }
.Ltmp0:
0xf: {  	p0 =	sgt.s32 s7, $0x2;
	s7 =	sshll.u32 s7, $0xA;
	(pc) =	sbr.rel .LBB2_1-.Ltmp0, $4  }
0x10: {  	s31 =	sadd.s32 s11, s5;
	s4 =	sadd.s32 s30, s4;
	s9 =	simm.s32 $0x800  }
0x11: {  	s11 =	simm.s32 $0x100;
	s7 =	simm.s32 @p0 $0x1000;
	s5 =	smax.u32 s8, $0x1  }
0x12: {  	s6 =	sadd.s32 $0x2600, s31;
	s8 =	simm.s32 $0x80;
	s19 =	sadd.s32 s10, s7  }
0x13: {  	s7 =	simm.s32 $0x7;
	s10 =	simm.s32 $0x4800;
	v0 =	vmov s19;
	s19 =	simm.s32 $0x400  }
.LBB2_5:
0x14: {  	s21 =	sadd.s32 $0x1, s21  }
0x15: {  	p1 =	sne.s32 s21, s5  }
.Ltmp1:
0x16: {  	_ = 	snop;
	(pc) =	sbr.rel @!p1 .LBB2_6-.Ltmp1, $1  }
0x17: {  	_ =	sdelay $0x3  }
.LBB2_1:
0x18: {  	[tilespmem:s3], [sflag:$0x7] =	stream.linear.gather [hbm4b:s4+s3], $0x800, $0x38;
	[tilespmem:$0x18800] =	vst v63  }
0x19: {  	_ =	swait.ge [sflag:s7], $0x800  }
0x1a: {  	[sflag:s7] =	ssyncset.done $0x0  }
0x1b: {  	[sflag:s7] =	ssyncadd.s32 $0xFFFFF800  }
0x1c: {  	v1 =	vld [tilespmem:$0x0]  }
0x1d: {  	v2 =	vld [tilespmem:$0x10]  }
0x1e: {  	v3 =	vld [tilespmem:$0x20]  }
0x1f: {  	v5 =	vld [tilespmem:$0x30]  }
0x20: {  	v6 =	vld [tilespmem:$0x40]  }
0x21: {  	v47 =	vld [tilespmem:$0x50]  }
0x22: {  	v9 =	vld [tilespmem:$0x60]  }
0x23: {  	v10 =	vld [tilespmem:$0x70];
	_ =	sdelay $0x2  }
0x24: {  	vm0 =	vgt.s32 v1, $0xFFFFFC00;
	vm1 =	vgt.s32 v2, $0xFFFFFC00;
	vm5 =	vgt.s32 v3, $0xFFFFFC00  }
0x25: {  	vm7 =	vgt.s32 v5, $0xFFFFFC00;
	vm8 =	vgt.s32 v6, $0xFFFFFC00;
	vm9 =	vgt.s32 v47, $0xFFFFFC00  }
0x26: {  	vm10 =	vgt.s32 v9, $0xFFFFFC00;
	vm12 =	vgt.s32 v10, $0xFFFFFC00;
	v4 =	vnsel vm0, $0xFFFFFC00, v1  }
0x27: {  	v7 =	vnsel vm1, $0xFFFFFC00, v2;
	v46 =	vnsel vm5, $0xFFFFFC00, v3;
	v8 =	vnsel vm7, $0xFFFFFC00, v5  }
0x28: {  	v48 =	vnsel vm8, $0xFFFFFC00, v6;
	v49 =	vnsel vm9, $0xFFFFFC00, v47;
	v50 =	vnsel vm12, $0xFFFFFC00, v10  }
0x29: {  	vm0 =	vlt.s32 v4, $0x400;
	vm4 =	vlt.s32 v7, $0x400;
	vm6 =	vlt.s32 v46, $0x400  }
0x2a: {  	vm1 =	vlt.s32 v8, $0x400;
	vm11 =	vlt.s32 v49, $0x400;
	v4 =	vnsel vm0, $0x400, v4  }
0x2b: {  	v45 =	vnsel vm4, $0x400, v7;
	v7 =	vnsel vm6, $0x400, v46;
	v8 =	vnsel vm1, $0x400, v8  }
0x2c: {  	vm0 =	vlt.s32 v48, $0x400;
	v1 =	vpsel p0, v4, v1;
	v2 =	vpsel p0, v45, v2  }
0x2d: {  	v3 =	vpsel p0, v7, v3;
	v5 =	vpsel p0, v8, v5;
	v1 =	vadd.s32 v0, v1  }
0x2e: {  	v7 =	vnsel vm0, $0x400, v48;
	vm0 =	vlt.s32 v50, $0x400;
	v2 =	vadd.s32 v0, v2;
	[tilespmem:$0x0] =	vst v1  }
0x2f: {  	v3 =	vadd.s32 v0, v3;
	v5 =	vadd.s32 v0, v5;
	[tilespmem:$0x10] =	vst v2;
	v2 =	vnsel vm10, $0xFFFFFC00, v9  }
0x30: {  	v6 =	vpsel p0, v7, v6;
	[tilespmem:$0x20] =	vst v3;
	v3 =	vnsel vm11, $0x400, v49;
	vm13 =	vlt.s32 v2, $0x400  }
0x31: {  	v1 =	vadd.s32 v0, v6;
	[tilespmem:$0x30] =	vst v5;
	v3 =	vpsel p0, v3, v47;
	v2 =	vnsel vm13, $0x400, v2  }
0x32: {  	[tilespmem:$0x40] =	vst v1;
	v1 =	vadd.s32 v0, v3;
	v3 =	vnsel vm0, $0x400, v50;
	v2 =	vpsel p0, v2, v9  }
0x33: {  	[tilespmem:$0x50] =	vst v1;
	v1 =	vadd.s32 v0, v2;
	v2 =	vpsel p0, v3, v10  }
0x34: {  	[tilespmem:$0x60] =	vst v1;
	v1 =	vadd.s32 v0, v2  }
0x35: {  	[tilespmem:$0x70] =	vst v1  }
0x36: {  	[tilespmem:s9], [sflag:$0x1] =	stream.indirect.gather [hbm4b:s1+s8], $0x80, s3, s8, $0xb8;
	[tilespmem:$0x18800] =	vst v63  }
0x37: {  	v1 =	vld [tilespmem:$0x80]  }
0x38: {  	v2 =	vld [tilespmem:$0x90]  }
0x39: {  	v3 =	vld [tilespmem:$0xA0]  }
0x3a: {  	v52 =	vld [tilespmem:$0xB0]  }
0x3b: {  	v53 =	vld [tilespmem:$0xC0]  }
0x3c: {  	v57 =	vld [tilespmem:$0xD0]  }
0x3d: {  	v59 =	vld [tilespmem:$0xE0]  }
0x3e: {  	v61 =	vld [tilespmem:$0xF0];
	_ =	sdelay $0x2  }
0x3f: {  	vm14 =	vgt.s32 v1, $0xFFFFFC00;
	vm15 =	vgt.s32 v2, $0xFFFFFC00;
	vm5 =	vgt.s32 v3, $0xFFFFFC00  }
0x40: {  	vm7 =	vgt.s32 v52, $0xFFFFFC00;
	vm8 =	vgt.s32 v53, $0xFFFFFC00;
	vm9 =	vgt.s32 v57, $0xFFFFFC00  }
0x41: {  	vm10 =	vgt.s32 v59, $0xFFFFFC00;
	vm12 =	vgt.s32 v61, $0xFFFFFC00;
	v51 =	vnsel vm14, $0xFFFFFC00, v1  }
0x42: {  	v54 =	vnsel vm15, $0xFFFFFC00, v2;
	v56 =	vnsel vm5, $0xFFFFFC00, v3;
	v58 =	vnsel vm7, $0xFFFFFC00, v52  }
0x43: {  	v60 =	vnsel vm8, $0xFFFFFC00, v53;
	v62 =	vnsel vm9, $0xFFFFFC00, v57;
	v63 =	vnsel vm12, $0xFFFFFC00, v61  }
0x44: {  	vm0 =	vlt.s32 v51, $0x400;
	vm4 =	vlt.s32 v54, $0x400;
	vm6 =	vlt.s32 v56, $0x400  }
0x45: {  	vm1 =	vlt.s32 v58, $0x400;
	vm11 =	vlt.s32 v62, $0x400;
	v4 =	vnsel vm0, $0x400, v51  }
0x46: {  	v55 =	vnsel vm4, $0x400, v54;
	v7 =	vnsel vm6, $0x400, v56;
	v8 =	vnsel vm1, $0x400, v58  }
0x47: {  	vm0 =	vlt.s32 v60, $0x400;
	v1 =	vpsel p0, v4, v1;
	v2 =	vpsel p0, v55, v2  }
0x48: {  	v3 =	vpsel p0, v7, v3;
	v5 =	vpsel p0, v8, v52;
	v1 =	vadd.s32 v0, v1  }
0x49: {  	v7 =	vnsel vm0, $0x400, v60;
	vm0 =	vlt.s32 v63, $0x400;
	v2 =	vadd.s32 v0, v2;
	[tilespmem:$0x80] =	vst v1  }
0x4a: {  	v3 =	vadd.s32 v0, v3;
	v5 =	vadd.s32 v0, v5;
	[tilespmem:$0x90] =	vst v2;
	v2 =	vnsel vm10, $0xFFFFFC00, v59  }
0x4b: {  	v6 =	vpsel p0, v7, v53;
	[tilespmem:$0xA0] =	vst v3;
	v3 =	vnsel vm11, $0x400, v62;
	vm13 =	vlt.s32 v2, $0x400  }
0x4c: {  	v1 =	vadd.s32 v0, v6;
	[tilespmem:$0xB0] =	vst v5;
	v3 =	vpsel p0, v3, v57;
	v2 =	vnsel vm13, $0x400, v2  }
0x4d: {  	[tilespmem:$0xC0] =	vst v1;
	v1 =	vadd.s32 v0, v3;
	v3 =	vnsel vm0, $0x400, v63;
	v2 =	vpsel p0, v2, v59  }
0x4e: {  	[tilespmem:$0xD0] =	vst v1;
	v1 =	vadd.s32 v0, v2;
	v2 =	vpsel p0, v3, v61  }
0x4f: {  	[tilespmem:$0xE0] =	vst v1;
	v1 =	vadd.s32 v0, v2  }
0x50: {  	[tilespmem:$0xF0] =	vst v1  }
0x51: {  	[tilespmem:s10], [sflag:$0x2] =	stream.indirect.gather [hbm4b:s1+s8], $0x80, s8, s8, $0xb8;
	[tilespmem:$0x18800] =	vst v63  }
0x52: {  	v1 =	vld [tilespmem:$0x100]  }
0x53: {  	v2 =	vld [tilespmem:$0x110]  }
0x54: {  	v3 =	vld [tilespmem:$0x120]  }
0x55: {  	v12 =	vld [tilespmem:$0x130]  }
0x56: {  	v13 =	vld [tilespmem:$0x140]  }
0x57: {  	v17 =	vld [tilespmem:$0x150]  }
0x58: {  	v19 =	vld [tilespmem:$0x160]  }
0x59: {  	v21 =	vld [tilespmem:$0x170];
	_ =	sdelay $0x2  }
0x5a: {  	vm14 =	vgt.s32 v1, $0xFFFFFC00;
	vm15 =	vgt.s32 v2, $0xFFFFFC00;
	vm5 =	vgt.s32 v3, $0xFFFFFC00  }
0x5b: {  	vm7 =	vgt.s32 v12, $0xFFFFFC00;
	vm8 =	vgt.s32 v13, $0xFFFFFC00;
	vm9 =	vgt.s32 v17, $0xFFFFFC00  }
0x5c: {  	vm10 =	vgt.s32 v19, $0xFFFFFC00;
	vm12 =	vgt.s32 v21, $0xFFFFFC00;
	v11 =	vnsel vm14, $0xFFFFFC00, v1  }
0x5d: {  	v14 =	vnsel vm15, $0xFFFFFC00, v2;
	v16 =	vnsel vm5, $0xFFFFFC00, v3;
	v18 =	vnsel vm7, $0xFFFFFC00, v12  }
0x5e: {  	v20 =	vnsel vm8, $0xFFFFFC00, v13;
	v22 =	vnsel vm9, $0xFFFFFC00, v17;
	v23 =	vnsel vm12, $0xFFFFFC00, v21  }
0x5f: {  	vm0 =	vlt.s32 v11, $0x400;
	vm4 =	vlt.s32 v14, $0x400;
	vm6 =	vlt.s32 v16, $0x400  }
0x60: {  	vm1 =	vlt.s32 v18, $0x400;
	vm11 =	vlt.s32 v22, $0x400;
	v4 =	vnsel vm0, $0x400, v11  }
0x61: {  	v15 =	vnsel vm4, $0x400, v14;
	v7 =	vnsel vm6, $0x400, v16;
	v8 =	vnsel vm1, $0x400, v18  }
0x62: {  	vm0 =	vlt.s32 v20, $0x400;
	v1 =	vpsel p0, v4, v1;
	v2 =	vpsel p0, v15, v2  }
0x63: {  	v3 =	vpsel p0, v7, v3;
	v5 =	vpsel p0, v8, v12;
	v1 =	vadd.s32 v0, v1  }
0x64: {  	v7 =	vnsel vm0, $0x400, v20;
	vm0 =	vlt.s32 v23, $0x400;
	v2 =	vadd.s32 v0, v2;
	[tilespmem:$0x100] =	vst v1  }
0x65: {  	v3 =	vadd.s32 v0, v3;
	v5 =	vadd.s32 v0, v5;
	[tilespmem:$0x110] =	vst v2;
	v2 =	vnsel vm10, $0xFFFFFC00, v19  }
0x66: {  	v6 =	vpsel p0, v7, v13;
	[tilespmem:$0x120] =	vst v3;
	v3 =	vnsel vm11, $0x400, v22;
	vm13 =	vlt.s32 v2, $0x400  }
0x67: {  	v1 =	vadd.s32 v0, v6;
	[tilespmem:$0x130] =	vst v5;
	v3 =	vpsel p0, v3, v17;
	v2 =	vnsel vm13, $0x400, v2  }
0x68: {  	[tilespmem:$0x140] =	vst v1;
	v1 =	vadd.s32 v0, v3;
	v3 =	vnsel vm0, $0x400, v23;
	v2 =	vpsel p0, v2, v19  }
0x69: {  	[tilespmem:$0x150] =	vst v1;
	v1 =	vadd.s32 v0, v2;
	v2 =	vpsel p0, v3, v21  }
0x6a: {  	[tilespmem:$0x160] =	vst v1;
	v1 =	vadd.s32 v0, v2  }
0x6b: {  	[tilespmem:$0x170] =	vst v1  }
0x6c: {  	[tilespmem:s12], [sflag:$0x3] =	stream.indirect.gather [hbm4b:s1+s8], $0x80, s11, s8, $0xb8;
	[tilespmem:$0x18800] =	vst v63  }
0x6d: {  	v1 =	vld [tilespmem:$0x180]  }
0x6e: {  	v2 =	vld [tilespmem:$0x190]  }
0x6f: {  	v3 =	vld [tilespmem:$0x1A0]  }
0x70: {  	v25 =	vld [tilespmem:$0x1B0]  }
0x71: {  	v26 =	vld [tilespmem:$0x1C0]  }
0x72: {  	v30 =	vld [tilespmem:$0x1D0]  }
0x73: {  	v32 =	vld [tilespmem:$0x1E0]  }
0x74: {  	v34 =	vld [tilespmem:$0x1F0];
	_ =	sdelay $0x2  }
0x75: {  	vm14 =	vgt.s32 v1, $0xFFFFFC00;
	vm15 =	vgt.s32 v2, $0xFFFFFC00;
	vm5 =	vgt.s32 v3, $0xFFFFFC00  }
0x76: {  	vm7 =	vgt.s32 v25, $0xFFFFFC00;
	vm8 =	vgt.s32 v26, $0xFFFFFC00;
	vm9 =	vgt.s32 v30, $0xFFFFFC00  }
0x77: {  	vm10 =	vgt.s32 v32, $0xFFFFFC00;
	vm12 =	vgt.s32 v34, $0xFFFFFC00;
	v24 =	vnsel vm14, $0xFFFFFC00, v1  }
0x78: {  	v27 =	vnsel vm15, $0xFFFFFC00, v2;
	v29 =	vnsel vm5, $0xFFFFFC00, v3;
	v31 =	vnsel vm7, $0xFFFFFC00, v25  }
0x79: {  	v33 =	vnsel vm8, $0xFFFFFC00, v26;
	v35 =	vnsel vm9, $0xFFFFFC00, v30;
	v36 =	vnsel vm12, $0xFFFFFC00, v34  }
0x7a: {  	vm0 =	vlt.s32 v24, $0x400;
	vm4 =	vlt.s32 v27, $0x400;
	vm6 =	vlt.s32 v29, $0x400  }
0x7b: {  	vm1 =	vlt.s32 v31, $0x400;
	vm11 =	vlt.s32 v35, $0x400;
	v4 =	vnsel vm0, $0x400, v24  }
0x7c: {  	v28 =	vnsel vm4, $0x400, v27;
	v7 =	vnsel vm6, $0x400, v29;
	v8 =	vnsel vm1, $0x400, v31  }
0x7d: {  	vm0 =	vlt.s32 v33, $0x400;
	v1 =	vpsel p0, v4, v1;
	v2 =	vpsel p0, v28, v2  }
0x7e: {  	v3 =	vpsel p0, v7, v3;
	v5 =	vpsel p0, v8, v25;
	v1 =	vadd.s32 v0, v1  }
0x7f: {  	v7 =	vnsel vm0, $0x400, v33;
	vm0 =	vlt.s32 v36, $0x400;
	v2 =	vadd.s32 v0, v2;
	[tilespmem:$0x180] =	vst v1  }
0x80: {  	v3 =	vadd.s32 v0, v3;
	v5 =	vadd.s32 v0, v5;
	[tilespmem:$0x190] =	vst v2;
	v2 =	vnsel vm10, $0xFFFFFC00, v32  }
0x81: {  	v6 =	vpsel p0, v7, v26;
	[tilespmem:$0x1A0] =	vst v3;
	v3 =	vnsel vm11, $0x400, v35;
	vm13 =	vlt.s32 v2, $0x400  }
0x82: {  	v1 =	vadd.s32 v0, v6;
	[tilespmem:$0x1B0] =	vst v5;
	v3 =	vpsel p0, v3, v30;
	v2 =	vnsel vm13, $0x400, v2  }
0x83: {  	[tilespmem:$0x1C0] =	vst v1;
	v1 =	vadd.s32 v0, v3;
	v3 =	vnsel vm0, $0x400, v36;
	v2 =	vpsel p0, v2, v32  }
0x84: {  	[tilespmem:$0x1D0] =	vst v1;
	v1 =	vadd.s32 v0, v2;
	v2 =	vpsel p0, v3, v34  }
0x85: {  	[tilespmem:$0x1E0] =	vst v1;
	v1 =	vadd.s32 v0, v2  }
0x86: {  	[tilespmem:$0x1F0] =	vst v1  }
0x87: {  	[tilespmem:s14], [sflag:$0x4] =	stream.indirect.gather [hbm4b:s1+s8], $0x80, s13, s8, $0xb8;
	[tilespmem:$0x18800] =	vst v63  }
0x88: {  	v1 =	vld [tilespmem:$0x200]  }
0x89: {  	v2 =	vld [tilespmem:$0x210]  }
0x8a: {  	v3 =	vld [tilespmem:$0x220]  }
0x8b: {  	v38 =	vld [tilespmem:$0x230]  }
0x8c: {  	v39 =	vld [tilespmem:$0x240]  }
0x8d: {  	v43 =	vld [tilespmem:$0x250]  }
0x8e: {  	v45 =	vld [tilespmem:$0x260]  }
0x8f: {  	v47 =	vld [tilespmem:$0x270];
	_ =	sdelay $0x2  }
0x90: {  	vm14 =	vgt.s32 v1, $0xFFFFFC00;
	vm15 =	vgt.s32 v2, $0xFFFFFC00;
	vm5 =	vgt.s32 v3, $0xFFFFFC00  }
0x91: {  	vm7 =	vgt.s32 v38, $0xFFFFFC00;
	vm8 =	vgt.s32 v39, $0xFFFFFC00;
	vm9 =	vgt.s32 v43, $0xFFFFFC00  }
0x92: {  	vm10 =	vgt.s32 v45, $0xFFFFFC00;
	vm12 =	vgt.s32 v47, $0xFFFFFC00;
	v37 =	vnsel vm14, $0xFFFFFC00, v1  }
0x93: {  	v40 =	vnsel vm15, $0xFFFFFC00, v2;
	v42 =	vnsel vm5, $0xFFFFFC00, v3;
	v44 =	vnsel vm7, $0xFFFFFC00, v38  }
0x94: {  	v46 =	vnsel vm8, $0xFFFFFC00, v39;
	v48 =	vnsel vm9, $0xFFFFFC00, v43;
	v49 =	vnsel vm12, $0xFFFFFC00, v47  }
0x95: {  	vm0 =	vlt.s32 v37, $0x400;
	vm4 =	vlt.s32 v40, $0x400;
	vm6 =	vlt.s32 v42, $0x400  }
0x96: {  	vm1 =	vlt.s32 v44, $0x400;
	vm11 =	vlt.s32 v48, $0x400;
	v4 =	vnsel vm0, $0x400, v37  }
0x97: {  	v41 =	vnsel vm4, $0x400, v40;
	v7 =	vnsel vm6, $0x400, v42;
	v8 =	vnsel vm1, $0x400, v44  }
0x98: {  	vm0 =	vlt.s32 v46, $0x400;
	v1 =	vpsel p0, v4, v1;
	v2 =	vpsel p0, v41, v2  }
0x99: {  	v3 =	vpsel p0, v7, v3;
	v5 =	vpsel p0, v8, v38;
	v1 =	vadd.s32 v0, v1  }
0x9a: {  	v7 =	vnsel vm0, $0x400, v46;
	vm0 =	vlt.s32 v49, $0x400;
	v2 =	vadd.s32 v0, v2;
	[tilespmem:$0x200] =	vst v1  }
0x9b: {  	v3 =	vadd.s32 v0, v3;
	v5 =	vadd.s32 v0, v5;
	[tilespmem:$0x210] =	vst v2;
	v2 =	vnsel vm10, $0xFFFFFC00, v45  }
0x9c: {  	v6 =	vpsel p0, v7, v39;
	[tilespmem:$0x220] =	vst v3;
	v3 =	vnsel vm11, $0x400, v48;
	vm13 =	vlt.s32 v2, $0x400  }
0x9d: {  	v1 =	vadd.s32 v0, v6;
	[tilespmem:$0x230] =	vst v5;
	v3 =	vpsel p0, v3, v43;
	v2 =	vnsel vm13, $0x400, v2  }
0x9e: {  	[tilespmem:$0x240] =	vst v1;
	v1 =	vadd.s32 v0, v3;
	v3 =	vnsel vm0, $0x400, v49;
	v2 =	vpsel p0, v2, v45  }
0x9f: {  	[tilespmem:$0x250] =	vst v1;
	v1 =	vadd.s32 v0, v2;
	v2 =	vpsel p0, v3, v47  }
0xa0: {  	[tilespmem:$0x260] =	vst v1;
	v1 =	vadd.s32 v0, v2  }
0xa1: {  	[tilespmem:$0x270] =	vst v1  }
0xa2: {  	[tilespmem:s16], [sflag:$0x5] =	stream.indirect.gather [hbm4b:s1+s8], $0x80, s15, s8, $0xb8;
	[tilespmem:$0x18800] =	vst v63  }
0xa3: {  	v1 =	vld [tilespmem:$0x280]  }
0xa4: {  	v2 =	vld [tilespmem:$0x290]  }
0xa5: {  	v3 =	vld [tilespmem:$0x2A0]  }
0xa6: {  	v50 =	vld [tilespmem:$0x2B0]  }
0xa7: {  	v53 =	vld [tilespmem:$0x2C0]  }
0xa8: {  	v54 =	vld [tilespmem:$0x2D0]  }
0xa9: {  	v57 =	vld [tilespmem:$0x2E0]  }
0xaa: {  	v58 =	vld [tilespmem:$0x2F0];
	_ =	sdelay $0x2  }
0xab: {  	vm14 =	vgt.s32 v1, $0xFFFFFC00;
	vm15 =	vgt.s32 v2, $0xFFFFFC00;
	vm4 =	vgt.s32 v3, $0xFFFFFC00  }
0xac: {  	vm5 =	vgt.s32 v50, $0xFFFFFC00;
	vm8 =	vgt.s32 v53, $0xFFFFFC00;
	vm9 =	vgt.s32 v54, $0xFFFFFC00  }
0xad: {  	vm12 =	vgt.s32 v57, $0xFFFFFC00;
	vm13 =	vgt.s32 v58, $0xFFFFFC00;
	v51 =	vnsel vm14, $0xFFFFFC00, v1  }
0xae: {  	v52 =	vnsel vm15, $0xFFFFFC00, v2;
	v55 =	vnsel vm4, $0xFFFFFC00, v3;
	v56 =	vnsel vm5, $0xFFFFFC00, v50  }
0xaf: {  	v59 =	vnsel vm8, $0xFFFFFC00, v53;
	v60 =	vnsel vm9, $0xFFFFFC00, v54;
	v62 =	vnsel vm12, $0xFFFFFC00, v57  }
0xb0: {  	v63 =	vnsel vm13, $0xFFFFFC00, v58;
	vm0 =	vlt.s32 v51, $0x400;
	vm1 =	vlt.s32 v52, $0x400  }
0xb1: {  	vm6 =	vlt.s32 v55, $0x400;
	vm7 =	vlt.s32 v56, $0x400;
	vm10 =	vlt.s32 v59, $0x400  }
0xb2: {  	vm11 =	vlt.s32 v60, $0x400;
	vm14 =	vlt.s32 v62, $0x400;
	v5 =	vnsel vm0, $0x400, v51  }
0xb3: {  	vm15 =	vlt.s32 v63, $0x400;
	v6 =	vnsel vm1, $0x400, v52;
	v1 =	vpsel p0, v5, v1  }
0xb4: {  	v2 =	vpsel p0, v6, v2;
	v5 =	vnsel vm6, $0x400, v55;
	v1 =	vadd.s32 v0, v1  }
0xb5: {  	v9 =	vnsel vm7, $0x400, v56;
	v2 =	vadd.s32 v0, v2;
	v3 =	vpsel p0, v5, v3;
	[tilespmem:$0x280] =	vst v1  }
0xb6: {  	v4 =	vpsel p0, v9, v50;
	v5 =	vnsel vm10, $0x400, v59;
	v3 =	vadd.s32 v0, v3;
	[tilespmem:$0x290] =	vst v2  }
0xb7: {  	v61 =	vnsel vm11, $0x400, v60;
	v1 =	vadd.s32 v0, v4;
	v2 =	vpsel p0, v5, v53;
	[tilespmem:$0x2A0] =	vst v3  }
0xb8: {  	v3 =	vpsel p0, v61, v54;
	[tilespmem:$0x2B0] =	vst v1;
	v1 =	vadd.s32 v0, v2;
	v2 =	vnsel vm14, $0x400, v62  }
.Ltmp2:
0xb9: {  	[tilespmem:$0x2C0] =	vst v1;
	v1 =	vpsel p0, v2, v57;
	v2 =	vnsel vm15, $0x400, v63;
	v3 =	vadd.s32 v0, v3;
	(pc) =	sbr.rel .LBB2_2-.Ltmp2, $4  }
0xba: {  	[tilespmem:$0x2D0] =	vst v3;
	v2 =	vpsel p0, v2, v58;
	v1 =	vadd.s32 v0, v1  }
0xbb: {  	[tilespmem:$0x2E0] =	vst v1;
	v1 =	vadd.s32 v0, v2  }
0xbc: {  	s22 =	simm.s32 $0x300;
	s23 =	smov.u32 s6;
	s24 =	simm.s32 $0x0;
	[tilespmem:$0x2F0] =	vst v1  }
0xbd: {  	[tilespmem:s18], [sflag:$0x6] =	stream.indirect.gather [hbm4b:s1+s8], $0x80, s17, s8, $0xb8;
	[tilespmem:$0x18800] =	vst v63  }
.LBB2_4:
0xbe: {  	s24 =	sadd.s32 $0x1, s24  }
0xbf: {  	p1 =	sne.s32 s24, $0x10  }
.Ltmp3:
0xc0: {  	_ = 	snop;
	(pc) =	sbr.rel @!p1 .LBB2_5-.Ltmp3, $2  }
0xc1: {  	_ =	sdelay $0x2  }
0xc2: {  	s23 =	sadd.s32 $0x8000, s23;
	s22 =	sadd.s32 $0x80, s22  }
.LBB2_2:
0xc3: {  	s25 =	smul.u32 $0xAB, s24;
	_ =	sdelay $0x1  }
0xc4: {  	s25 =	sshrl.u32 s25, $0xA  }
0xc5: {  	s25 =	sand.u32 $0x3F, s25  }
0xc6: {  	s25 =	smul.u32 $0x6, s25;
	_ =	sdelay $0x1  }
0xc7: {  	s25 =	ssub.s32 s24, s25  }
0xc8: {  	s25 =	sand.u32 $0xFF, s25  }
0xc9: {  	s26 =	sadd.s32 $0x1, s25  }
0xca: {  	_ =	swait.ge [sflag:s26], $0x4000  }
0xcb: {  	p1 =	sgt.u32 s24, $0x9;
	s25 =	sshll.u32 s25, $0xE;
	[sflag:s26] =	ssyncset.done $0x0  }
.Ltmp4:
0xcc: {  	s25 =	sor.u32 $0x800, s25;
	[sflag:s26] =	ssyncadd.s32 $0xFFFFC000;
	(pc) =	sbr.rel @p1 .LBB2_4-.Ltmp4, $4  }
0xcd: {  	[hbm4b:s23+s19] =	stream.strided.scatter [tilespmem:s25], [sflag:$0x7], $0x4000, s20, s19, $0x38;
	[tilespmem:$0x18800] =	vst v63  }
0xce: {  	_ =	swait.ge [sflag:s7], $0x4000  }
0xcf: {  	[sflag:s7] =	ssyncset.done $0x0  }
0xd0: {  	[sflag:s7] =	ssyncadd.s32 $0xFFFFC000  }
0xd1: {  	v1 =	vld [tilespmem:s22+$0x0];
	_ =	sdelay $0x4  }
0xd2: {  	vm0 =	vgt.s32 v1, $0xFFFFFC00  }
0xd3: {  	v2 =	vnsel vm0, $0xFFFFFC00, v1  }
0xd4: {  	vm0 =	vlt.s32 v2, $0x400  }
0xd5: {  	v2 =	vnsel vm0, $0x400, v2  }
0xd6: {  	v1 =	vpsel p0, v2, v1  }
0xd7: {  	v1 =	vadd.s32 v0, v1  }
0xd8: {  	[tilespmem:s22+$0x0] =	vst v1;
	v1 =	vld [tilespmem:s22+$0x10];
	_ =	sdelay $0x4  }
0xd9: {  	vm9 =	vgt.s32 v1, $0xFFFFFC00  }
0xda: {  	v2 =	vnsel vm9, $0xFFFFFC00, v1  }
0xdb: {  	vm0 =	vlt.s32 v2, $0x400  }
0xdc: {  	v2 =	vnsel vm0, $0x400, v2  }
0xdd: {  	v1 =	vpsel p0, v2, v1  }
0xde: {  	v1 =	vadd.s32 v0, v1  }
0xdf: {  	[tilespmem:s22+$0x10] =	vst v1;
	v1 =	vld [tilespmem:s22+$0x20];
	_ =	sdelay $0x4  }
0xe0: {  	vm10 =	vgt.s32 v1, $0xFFFFFC00  }
0xe1: {  	v2 =	vnsel vm10, $0xFFFFFC00, v1  }
0xe2: {  	vm0 =	vlt.s32 v2, $0x400  }
0xe3: {  	v2 =	vnsel vm0, $0x400, v2  }
0xe4: {  	v1 =	vpsel p0, v2, v1  }
0xe5: {  	v1 =	vadd.s32 v0, v1  }
0xe6: {  	[tilespmem:s22+$0x20] =	vst v1;
	v1 =	vld [tilespmem:s22+$0x30];
	_ =	sdelay $0x4  }
0xe7: {  	vm11 =	vgt.s32 v1, $0xFFFFFC00  }
0xe8: {  	v2 =	vnsel vm11, $0xFFFFFC00, v1  }
0xe9: {  	vm0 =	vlt.s32 v2, $0x400  }
0xea: {  	v2 =	vnsel vm0, $0x400, v2  }
0xeb: {  	v1 =	vpsel p0, v2, v1  }
0xec: {  	v1 =	vadd.s32 v0, v1  }
0xed: {  	[tilespmem:s22+$0x30] =	vst v1;
	v1 =	vld [tilespmem:s22+$0x40];
	_ =	sdelay $0x4  }
0xee: {  	vm12 =	vgt.s32 v1, $0xFFFFFC00  }
0xef: {  	v2 =	vnsel vm12, $0xFFFFFC00, v1  }
0xf0: {  	vm0 =	vlt.s32 v2, $0x400  }
0xf1: {  	v2 =	vnsel vm0, $0x400, v2  }
0xf2: {  	v1 =	vpsel p0, v2, v1  }
0xf3: {  	v1 =	vadd.s32 v0, v1  }
0xf4: {  	[tilespmem:s22+$0x40] =	vst v1;
	v1 =	vld [tilespmem:s22+$0x50];
	_ =	sdelay $0x4  }
0xf5: {  	vm13 =	vgt.s32 v1, $0xFFFFFC00  }
0xf6: {  	v2 =	vnsel vm13, $0xFFFFFC00, v1  }
0xf7: {  	vm0 =	vlt.s32 v2, $0x400  }
0xf8: {  	v2 =	vnsel vm0, $0x400, v2  }
0xf9: {  	v1 =	vpsel p0, v2, v1  }
0xfa: {  	v1 =	vadd.s32 v0, v1  }
0xfb: {  	[tilespmem:s22+$0x50] =	vst v1;
	v1 =	vld [tilespmem:s22+$0x60];
	_ =	sdelay $0x4  }
0xfc: {  	vm14 =	vgt.s32 v1, $0xFFFFFC00  }
0xfd: {  	v2 =	vnsel vm14, $0xFFFFFC00, v1  }
0xfe: {  	vm0 =	vlt.s32 v2, $0x400  }
0xff: {  	v2 =	vnsel vm0, $0x400, v2  }
0x100: {  	v1 =	vpsel p0, v2, v1  }
0x101: {  	v1 =	vadd.s32 v0, v1  }
0x102: {  	[tilespmem:s22+$0x60] =	vst v1;
	v1 =	vld [tilespmem:s22+$0x70]  }
0x103: {  	s25 =	sadd.s32 $0x6, s24  }
0x104: {  	s26 =	smul.u32 $0xAB, s25;
	_ =	sdelay $0x1  }
0x105: {  	s26 =	sshrl.u32 s26, $0xA  }
0x106: {  	s26 =	sand.u32 $0x3F, s26;
	vm15 =	vgt.s32 v1, $0xFFFFFC00  }
0x107: {  	s26 =	smul.u32 $0x6, s26;
	v2 =	vnsel vm15, $0xFFFFFC00, v1  }
0x108: {  	vm0 =	vlt.s32 v2, $0x400  }
.Ltmp5:
0x109: {  	s25 =	ssub.s32 s25, s26;
	v2 =	vnsel vm0, $0x400, v2;
	(pc) =	sbr.rel .LBB2_4-.Ltmp5, $4  }
0x10a: {  	s25 =	sand.u32 $0xFF, s25;
	v1 =	vpsel p0, v2, v1  }
0x10b: {  	s31 =	sshll.u32 s25, $0xE;
	v1 =	vadd.s32 v0, v1  }
0x10c: {  	s25 =	sadd.s32 $0x1, s25;
	s26 =	sor.u32 $0x800, s31;
	[tilespmem:s22+$0x70] =	vst v1  }
0x10d: {  	[tilespmem:s26], [sflag:s25] =	stream.indirect.gather [hbm4b:s1+s8], $0x80, s22, s8, $0xb8;
	[tilespmem:$0x18800] =	vst v63  }
.LBB2_6:
0x10e: {  	_ =	sfence.sel $0x180000  }
0x10f: {  	[bflag:$0x0] =	sbarrier.arrive $0xFFFF  }
0x110: {  	p0 =	sne.s32 s2, $0x0;
	_ =	strace $0x90000047  }
0x111: {  	s0 =	sadd.s32 @!p0 $0x100000, s0;
	[bflag:$0x2] =	sbarrier.arrive $0xFFFF  }
0x112: {  	[sflag:s0] =	ssyncadd.tile.s32 @!p0 $0x1;
	_ =	shalt  }
.Lfunc_end2:
_tile_overlayer_lowered:
.L_overlay_start_2:
0x113: {  	(tag) =	ssettag $0x2  }
0x114: {  	s0 =	rddreg [dreg:$0x0];
	s2 =	stileid.u32  }
0x115: {  	s1 =	rddreg [dreg:$0x1];
	p0 =	sne.s32 s2, $0x0  }
0x116: {  	s3 =	rddreg [dreg:$0x2];
	[bflag:$0x3] =	sbarrier.arrive $0xFFFF;
	s2 =	simm.s32 @!p0 $0x1C07  }
0x117: {  	[timem:s3], [sflag:s2] =	dma.local @!p0 [hbm:s0], s1  }
0x118: {  	s0 =	simm.s32 @!p0 $0x7  }
0x119: {  	_ =	swait.ge @!p0 [sflag:s0], s1  }
0x11a: {  	s1 =	ssub.s32 @!p0 $0x0, s1;
	[sflag:s0] =	ssyncset.done @!p0 $0x0  }
0x11b: {  	[sflag:s0] =	ssyncadd.s32 @!p0 s1  }
0x11c: {  	[bflag:$0x3] =	sbarrier.arrive $0xFFFF  }
0x11d: {  	_ =	shalt  }

</sc_bundles>
